<compile_context>
chip_gen: v7x
topology: tpu7x:2x2x1
jax: 0.10.2.dev20260603
libtpu: 0.0.44.dev20260713+nightly
codegen_flags: <defaults>
</compile_context>

<pallas_src>
import functools

import jax
import jax.numpy as jnp
from jax import lax
from jax.experimental import pallas as pl
from jax.experimental.pallas import tpu as pltpu
from jax.experimental.pallas import tpu_sc as plsc

N = 10000
E = 320000
NODE_IN = 128
NGRAPH = 64


BE = 2560


def _edge_mlp_body(er, We1, be1, We2, be2, Wl1, bl1, Wl2, bl2, t1, t2a, t2b):
    a = jnp.maximum(
        jnp.dot(er[...], We1[...], preferred_element_type=jnp.float32, precision=lax.Precision.HIGHEST) + be1[...], 0.0)
    ea = jnp.dot(a, We2[...], preferred_element_type=jnp.float32, precision=lax.Precision.HIGHEST) + be2[...]
    t1[...] = jnp.dot(ea, Wl1[...], preferred_element_type=jnp.float32, precision=lax.Precision.HIGHEST) + bl1[...]
    t2 = jnp.dot(ea, Wl2[...], preferred_element_type=jnp.float32, precision=lax.Precision.HIGHEST) + bl2[...]
    t2a[...] = t2[:, :128]
    t2b[...] = t2[:, 128:]


def _edge_mlp(edge_attr, We1, be1, We2, be2, Wl1, bl1, Wl2, bl2):
    full = lambda s: pl.BlockSpec(s, lambda i: (0,) * len(s))
    return pl.pallas_call(
        _edge_mlp_body,
        grid=(E // BE,),
        in_specs=[
            pl.BlockSpec((BE, 16), lambda i: (i, 0)),
            full((16, 256)), full((1, 256)),
            full((256, 256)), full((1, 256)),
            full((256, 128)), full((1, 128)),
            full((256, 256)), full((1, 256)),
        ],
        out_specs=[
            pl.BlockSpec((BE, 128), lambda i: (i, 0)),
            pl.BlockSpec((BE, 128), lambda i: (i, 0)),
            pl.BlockSpec((BE, 128), lambda i: (i, 0)),
        ],
        out_shape=[
            jax.ShapeDtypeStruct((E, 128), jnp.float32),
            jax.ShapeDtypeStruct((E, 128), jnp.float32),
            jax.ShapeDtypeStruct((E, 128), jnp.float32),
        ],
    )(edge_attr, We1, be1, We2, be2, Wl1, bl1, Wl2, bl2)



NTILES = 32
PW = E // NTILES
K = 80
G = K // 16
NCH = PW // K
N_PAD = 10240
RPT = N_PAD // 16
TRASH = N_PAD - K


def _sc_body(xh, th, src_h, dst_h, zero_h, part, idxb, dstb, rows, trow, sidx,
             ridx, occ80, acc, gsem, tsem):
    cid = lax.axis_index("c")
    sid = lax.axis_index("s")
    pltpu.sync_copy(zero_h.at[pl.ds(sid * RPT, RPT)],
                    acc.at[pl.ds(sid * RPT, RPT)])
    plsc.subcore_barrier()

    wid = sid * 2 + cid
    e0 = wid * PW
    lane = lax.iota(jnp.int32, 16)
    one = jnp.full((16,), 1, jnp.int32)

    def chunk(i, carry):
        b = lax.rem(i, 2)
        base = e0 + i * K
        pltpu.sync_copy(src_h.at[pl.ds(base, K)], idxb.at[0])
        pltpu.sync_copy(dst_h.at[pl.ds(base, K)], dstb.at[b])
        pltpu.async_copy(th.at[pl.ds(base, K)], trow, tsem).wait()
        pltpu.async_copy(xh.at[idxb.at[0]], rows.at[b], gsem).wait()

        for g in range(G):
            def rowloop(r, c2):
                for c in range(8):
                    v = rows[b, r, pl.ds(c * 16, 16)] + trow[r, pl.ds(c * 16, 16)]
                    rows[b, r, pl.ds(c * 16, 16)] = jnp.maximum(v, 0.0)
                return c2
            lax.fori_loop(g * 16, (g + 1) * 16, rowloop, 0)

        pltpu.sync_copy(rows.at[b], acc.at[dstb.at[b]], add=True)
        return carry

    lax.fori_loop(0, NCH, chunk, 0)
    plsc.subcore_barrier()
    pltpu.sync_copy(acc.at[pl.ds(sid * RPT, RPT)],
                    part.at[cid, pl.ds(sid * RPT, RPT)])


def _sc_pass(x_slab, t_slab, src, dst, zeros):
    mesh = plsc.VectorSubcoreMesh(core_axis_name="c", subcore_axis_name="s")
    f = functools.partial(
        pl.kernel,
        out_type=jax.ShapeDtypeStruct((2, N_PAD, 128), jnp.float32),
        mesh=mesh,
        compiler_params=pltpu.CompilerParams(needs_layout_passes=False),
        scratch_types=[
            pltpu.VMEM((2, K), jnp.int32),
            pltpu.VMEM((2, K), jnp.int32),
            pltpu.VMEM((2, K, 128), jnp.float32),
            pltpu.VMEM((K, 128), jnp.float32),
            pltpu.VMEM((K,), jnp.int32),
            pltpu.VMEM((K,), jnp.int32),
            pltpu.VMEM((K,), jnp.int32),
            pltpu.VMEM_SHARED((N_PAD, 128), jnp.float32),
            pltpu.SemaphoreType.DMA,
            pltpu.SemaphoreType.DMA,
        ],
    )(_sc_body)
    return f(x_slab, t_slab, src, dst, zeros)




def _scs_body(m_h, dst_h, zero_h, part, dstb, rows, acc, tsem):
    cid = lax.axis_index("c")
    sid = lax.axis_index("s")
    pltpu.sync_copy(zero_h.at[pl.ds(sid * RPT, RPT)],
                    acc.at[pl.ds(sid * RPT, RPT)])
    plsc.subcore_barrier()
    wid = sid * 2 + cid
    e0 = wid * PW

    def chunk(i, carry):
        base = e0 + i * K
        pltpu.sync_copy(dst_h.at[pl.ds(base, K)], dstb)
        pltpu.async_copy(m_h.at[pl.ds(base, K)], rows, tsem).wait()
        pltpu.sync_copy(rows, acc.at[dstb], add=True)
        return carry

    lax.fori_loop(0, NCH, chunk, 0)
    plsc.subcore_barrier()
    pltpu.sync_copy(acc.at[pl.ds(sid * RPT, RPT)],
                    part.at[cid, pl.ds(sid * RPT, RPT)])


def _sc_scatter(m, dst, zeros):
    mesh = plsc.VectorSubcoreMesh(core_axis_name="c", subcore_axis_name="s")
    f = functools.partial(
        pl.kernel,
        out_type=jax.ShapeDtypeStruct((2, N_PAD, 128), jnp.float32),
        mesh=mesh,
        compiler_params=pltpu.CompilerParams(needs_layout_passes=False),
        scratch_types=[
            pltpu.VMEM((K,), jnp.int32),
            pltpu.VMEM((K, 128), jnp.float32),
            pltpu.VMEM_SHARED((N_PAD, 128), jnp.float32),
            pltpu.SemaphoreType.DMA,
        ],
    )(_scs_body)
    return f(m, dst, zeros)


BN = 2000


def _node1_body(x, p1, A1, a1, A2, a2, x1a, x1b):
    h = x[...] + p1[0] + p1[1]
    h = jnp.maximum(jnp.dot(h, A1[...], preferred_element_type=jnp.float32, precision=lax.Precision.HIGHEST) + a1[...], 0.0)
    h = jnp.dot(h, A2[...], preferred_element_type=jnp.float32, precision=lax.Precision.HIGHEST) + a2[...]
    x1 = jnp.maximum(h, 0.0)
    x1a[...] = x1[:, :128]
    x1b[...] = x1[:, 128:]


def _node1(x, p1, A1, a1, A2, a2):
    full = lambda s: pl.BlockSpec(s, lambda i: (0,) * len(s))
    return pl.pallas_call(
        _node1_body,
        grid=(N // BN,),
        in_specs=[
            pl.BlockSpec((BN, 128), lambda i: (i, 0)),
            pl.BlockSpec((2, BN, 128), lambda i: (0, i, 0)),
            full((128, 256)), full((1, 256)),
            full((256, 256)), full((1, 256)),
        ],
        out_specs=[
            pl.BlockSpec((BN, 128), lambda i: (i, 0)),
            pl.BlockSpec((BN, 128), lambda i: (i, 0)),
        ],
        out_shape=[
            jax.ShapeDtypeStruct((N, 128), jnp.float32),
            jax.ShapeDtypeStruct((N, 128), jnp.float32),
        ],
    )(x, p1, A1, a1, A2, a2)




def _final_body(x1a, x1b, p2a, p2b, batch, B1, b1, B2, b2,
                L1, l1, L2, l2, H, hb, out, sums, cnt):
    i = pl.program_id(0)
    nsteps = pl.num_programs(0)

    @pl.when(i == 0)
    def _init():
        sums[...] = jnp.zeros_like(sums)
        cnt[...] = jnp.zeros_like(cnt)

    h = jnp.concatenate([x1a[...] + p2a[0] + p2a[1],
                         x1b[...] + p2b[0] + p2b[1]], axis=1)
    h = jnp.maximum(jnp.dot(h, B1[...], preferred_element_type=jnp.float32, precision=lax.Precision.HIGHEST) + b1[...], 0.0)
    h = jnp.dot(h, B2[...], preferred_element_type=jnp.float32, precision=lax.Precision.HIGHEST) + b2[...]
    x2 = jnp.maximum(h, 0.0)

    gid = lax.broadcasted_iota(jnp.int32, (BN, NGRAPH), 1)
    oh = jnp.where(batch[...] == gid, 1.0, 0.0).astype(jnp.float32)
    sums[...] += lax.dot_general(oh, x2, (((0,), (0,)), ((), ())),
                                 preferred_element_type=jnp.float32, precision=lax.Precision.HIGHEST)
    cnt[...] += lax.dot_general(oh, jnp.ones((BN, 1), jnp.float32),
                                (((0,), (0,)), ((), ())),
                                preferred_element_type=jnp.float32, precision=lax.Precision.HIGHEST)

    @pl.when(i == nsteps - 1)
    def _finish():
        g = sums[...] / jnp.maximum(cnt[...], 1.0)
        g = jnp.maximum(jnp.dot(g, L1[...], preferred_element_type=jnp.float32, precision=lax.Precision.HIGHEST) + l1[...], 0.0)
        g = jnp.maximum(jnp.dot(g, L2[...], preferred_element_type=jnp.float32, precision=lax.Precision.HIGHEST) + l2[...], 0.0)
        out[...] = jnp.dot(g, H[...], preferred_element_type=jnp.float32, precision=lax.Precision.HIGHEST) + hb[...]


def _final(x1a, x1b, p2a, p2b, batch2d, B1, b1, B2, b2, L1, l1, L2, l2, H, hb):
    full = lambda s: pl.BlockSpec(s, lambda i: (0,) * len(s))
    return pl.pallas_call(
        _final_body,
        grid=(N // BN,),
        in_specs=[
            pl.BlockSpec((BN, 128), lambda i: (i, 0)),
            pl.BlockSpec((BN, 128), lambda i: (i, 0)),
            pl.BlockSpec((2, BN, 128), lambda i: (0, i, 0)),
            pl.BlockSpec((2, BN, 128), lambda i: (0, i, 0)),
            pl.BlockSpec((BN, 1), lambda i: (i, 0)),
            full((256, 256)), full((1, 256)),
            full((256, 256)), full((1, 256)),
            full((256, 128)), full((1, 128)),
            full((128, 64)), full((1, 64)),
            full((64, 3)), full((1, 3)),
        ],
        out_specs=pl.BlockSpec((NGRAPH, 3), lambda i: (0, 0)),
        out_shape=jax.ShapeDtypeStruct((NGRAPH, 3), jnp.float32),
        scratch_shapes=[
            pltpu.VMEM((NGRAPH, 256), jnp.float32),
            pltpu.VMEM((NGRAPH, 1), jnp.float32),
        ],
    )(x1a, x1b, p2a, p2b, batch2d, B1, b1, B2, b2, L1, l1, L2, l2, H, hb)




def kernel(x, edge_index, edge_attr, batch, We1, be1, We2, be2, Wl1, bl1,
           A1, a1, A2, a2, Wl2, bl2, B1, b1, B2, b2, L1, l1, L2, l2,
           Hs, hs, Hp, hp, Hn, hn):
    src = edge_index[0].astype(jnp.int32)
    dst = edge_index[1].astype(jnp.int32)
    r = lambda b: b.reshape(1, -1)

    t1, t2a, t2b = _edge_mlp(edge_attr, We1, r(be1), We2, r(be2),
                             Wl1, r(bl1), Wl2, r(bl2))

    zeros = jnp.zeros((N_PAD, 128), jnp.float32)
    m1 = jnp.maximum(x[src] + t1, 0.0)
    p1 = _sc_scatter(m1, dst, zeros)
    x1a, x1b = _node1(x, p1, A1, r(a1), A2, r(a2))
    m2a = jnp.maximum(x1a[src] + t2a, 0.0)
    p2a = _sc_scatter(m2a, dst, zeros)
    x1b_dep = x1b + 0.0 * p2a[0, 0, 0]
    m2b = jnp.maximum(x1b_dep[src] + t2b, 0.0)
    p2b = _sc_scatter(m2b, dst, zeros)

    H = jnp.concatenate([Hs, Hp, Hn], axis=1)
    hb = jnp.stack([hs[0], hp[0], hn[0]]).reshape(1, 3)
    out = _final(x1a, x1b, p2a, p2b, batch.reshape(N, 1).astype(jnp.int32),
                 B1, r(b1), B2, r(b2), L1, r(l1), L2, r(l2), H, hb)
    return out[:, 0], out[:, 1], out[:, 2]

# --- scband reference (transcript-rebuilt; emitter-appended) ---
"""Pipeline reference for scband-gnnplus-472446402724 (READ-ONLY COPY).

The authoritative reference and input builder live on the scoring server;
editing this copy changes nothing except your own understanding.
"""

import jax, jax.numpy as jnp
import numpy as np

N, E, NODE_IN, EDGE_IN, NGRAPH = 10000, 320000, 128, 16, 64

def _lin(k, i, o):
    return jax.random.normal(k, (i, o), dtype=jnp.float32) * 0.05, jnp.zeros((o,), dtype=jnp.float32)

def setup_inputs(seed: int = 0):
    key = jax.random.key(seed)
    ks = jax.random.split(key, 20)
    x = jax.random.normal(ks[0], (N, NODE_IN), dtype=jnp.float32)
    edge_index = jax.random.randint(ks[1], (2, E), 0, N)
    edge_attr = jax.random.normal(ks[2], (E, EDGE_IN), dtype=jnp.float32)
    batch = jnp.sort(jax.random.randint(ks[3], (N,), 0, NGRAPH))
    We1, be1 = _lin(ks[4], EDGE_IN, 256)
    We2, be2 = _lin(ks[5], 256, 256)
    Wl1, bl1 = _lin(ks[6], 256, NODE_IN)   # conv1 edge lin: edge_dim->in_channels
    A1, a1 = _lin(ks[7], NODE_IN, 256)     # conv1 nn
    A2, a2 = _lin(ks[8], 256, 256)
    Wl2, bl2 = _lin(ks[9], 256, 256)       # conv2 edge lin
    B1, b1 = _lin(ks[10], 256, 256)        # conv2 nn
    B2, b2 = _lin(ks[11], 256, 256)
    L1, l1 = _lin(ks[12], 256, 128)
    L2, l2 = _lin(ks[13], 128, 64)
    Hs, hs = _lin(ks[14], 64, 1)
    Hp, hp = _lin(ks[15], 64, 1)
    Hn, hn = _lin(ks[16], 64, 1)
    return {"x": x, "edge_index": edge_index, "edge_attr": edge_attr, "batch": batch,
            "We1": We1, "be1": be1, "We2": We2, "be2": be2,
            "Wl1": Wl1, "bl1": bl1, "A1": A1, "a1": a1, "A2": A2, "a2": a2,
            "Wl2": Wl2, "bl2": bl2, "B1": B1, "b1": b1, "B2": B2, "b2": b2,
            "L1": L1, "l1": l1, "L2": L2, "l2": l2,
            "Hs": Hs, "hs": hs, "Hp": Hp, "hp": hp, "Hn": Hn, "hn": hn}

def reference(x, edge_index, edge_attr, batch, We1, be1, We2, be2, Wl1, bl1, A1, a1, A2, a2, Wl2, bl2, B1, b1, B2, b2, L1, l1, L2, l2, Hs, hs, Hp, hp, Hn, hn):
    ea = jnp.maximum(edge_attr @ We1 + be1, 0.0) @ We2 + be2
    src = edge_index[0]
    dst = edge_index[1]
    # GINEConv 1: out = nn((1+eps)*x + sum_j relu(x_j + lin(e_ij))), eps=0
    m1 = jnp.maximum(x[src] + ea @ Wl1 + bl1, 0.0)
    agg1 = jax.ops.segment_sum(m1, dst, num_segments=N)
    h1 = x + agg1
    h1 = jnp.maximum(h1 @ A1 + a1, 0.0) @ A2 + a2
    x1 = jnp.maximum(h1, 0.0)
    # GINEConv 2
    m2 = jnp.maximum(x1[src] + ea @ Wl2 + bl2, 0.0)
    agg2 = jax.ops.segment_sum(m2, dst, num_segments=N)
    h2 = x1 + agg2
    h2 = jnp.maximum(h2 @ B1 + b1, 0.0) @ B2 + b2
    x2 = jnp.maximum(h2, 0.0)
    # global mean pool
    sums = jax.ops.segment_sum(x2, batch, num_segments=NGRAPH)
    cnt = jax.ops.segment_sum(jnp.ones((N,), dtype=jnp.float32), batch, num_segments=NGRAPH)
    g = sums / jnp.clip(cnt, 1.0)[:, None]
    g = jnp.maximum(g @ L1 + l1, 0.0)
    g = jnp.maximum(g @ L2 + l2, 0.0)
    return ((g @ Hs + hs)[:, 0], (g @ Hp + hp)[:, 0], (g @ Hn + hn)[:, 0])

if __name__ == "__main__":
    import jax
    _d = setup_inputs()
    print(jax.jit(kernel)(*tuple(_d.values())))

</pallas_src>

<mosaic_0001>
#map = affine_map<(d0, d1) -> (0, 0)>
#map1 = affine_map<(d0, d1) -> (0)>
#map2 = affine_map<(d0, d1) -> (0, 0, 0)>
module attributes {stable_mosaic.version = 14 : i64} {
  func.func @_scs_body(%arg0: i32, %arg1: i32, %arg2: memref<320000x128xf32, #tpu.memory_space<hbm>>, %arg3: memref<320000xi32, #tpu.memory_space<hbm>>, %arg4: memref<10240x128xf32, #tpu.memory_space<hbm>>, %arg5: memref<2x10240x128xf32, #tpu.memory_space<hbm>>, %arg6: memref<80xi32, #tpu.memory_space<vmem>>, %arg7: memref<80x128xf32, #tpu.memory_space<vmem>>, %arg8: memref<10240x128xf32, #tpu.memory_space<vmem_shared>>, %arg9: memref<!tpu.dma_semaphore, #tpu.memory_space<semaphore_mem>>) attributes {dimension_semantics = [#tpu.dimension_semantics<core_parallel>, #tpu.dimension_semantics<subcore_parallel>], iteration_bounds = array<i64: 2, 16>, scalar_prefetch = 0 : i64, scratch_operands = 4 : i64, tpu.core_type = #tpu.core_type<sc_vector_subcore>, window_params = [{transform_indices = #map}, {transform_indices = #map1}, {transform_indices = #map}, {transform_indices = #map2}]} {
    %mul3A = arith.constant 640 : i32
    %mul3A_0 = arith.muli %arg1, %mul3A : i32
    %mul3A_1 = arith.constant 640 : i32
    %mul3A_2 = arith.muli %arg1, %mul3A_1 : i32
    "tpu.region"() ({
      %run_scoped3A = tpu.sem_alloc : memref<!tpu.dma_semaphore, #tpu.memory_space<semaphore_mem>>
      %dma_start3A = arith.constant 0 : i32
      %dma_start3A_17 = tpu.memref_slice %arg8[%mul3A_2, %dma_start3A] : memref<10240x128xf32, #tpu.memory_space<vmem_shared>> -> memref<640x128xf32, #tpu.memory_space<vmem_shared>>
      %dma_start3A_18 = arith.constant 0 : i32
      %dma_start3A_19 = tpu.memref_slice %arg4[%mul3A_0, %dma_start3A_18] : memref<10240x128xf32, #tpu.memory_space<hbm>> -> memref<640x128xf32, #tpu.memory_space<hbm>>
      tpu.enqueue_dma source(%dma_start3A_19 : memref<640x128xf32, #tpu.memory_space<hbm>>) target(%dma_start3A_17 : memref<640x128xf32, #tpu.memory_space<vmem_shared>>) target_semaphore(%run_scoped3A : memref<!tpu.dma_semaphore, #tpu.memory_space<semaphore_mem>>)
      %dma_wait3A = arith.constant 0 : i32
      %dma_wait3A_20 = tpu.memref_slice %arg8[%mul3A_2, %dma_wait3A] : memref<10240x128xf32, #tpu.memory_space<vmem_shared>> -> memref<640x128xf32, #tpu.memory_space<vmem_shared>>
      %dma_wait3A_21 = arith.constant 0 : i32
      %dma_wait3A_22 = tpu.memref_slice %arg4[%mul3A_0, %dma_wait3A_21] : memref<10240x128xf32, #tpu.memory_space<hbm>> -> memref<640x128xf32, #tpu.memory_space<hbm>>
      tpu.wait_dma2 semaphore(%run_scoped3A : memref<!tpu.dma_semaphore, #tpu.memory_space<semaphore_mem>>) src(%dma_wait3A_22 : memref<640x128xf32, #tpu.memory_space<hbm>>) dst(%dma_wait3A_20 : memref<640x128xf32, #tpu.memory_space<vmem_shared>>)
      tpu.yield
    }) : () -> ()
    %barrier3A = arith.constant 0 : index
    tpu.barrier barrier_id(%barrier3A)
    %mul3A_3 = arith.constant 2 : i32
    %mul3A_4 = arith.muli %arg1, %mul3A_3 : i32
    %add3A = arith.addi %mul3A_4, %arg0 : i32
    %mul3A_5 = arith.constant 10000 : i32
    %mul3A_6 = arith.muli %add3A, %mul3A_5 : i32
    %scan3A = arith.constant 0 : i32
    %scan3A_7 = arith.constant 0 : i32
    %scan3A_8 = arith.constant 125 : i32
    %scan3A_9 = arith.addi %scan3A_7, %scan3A_8 : i32
    %scan3A_10 = arith.constant 1 : i32
    scf.for %scan3A_17 = %scan3A_7 to %scan3A_9 step %scan3A_10  : i32 {
      %mul3A_18 = arith.constant 80 : i32
      %mul3A_19 = arith.muli %scan3A_17, %mul3A_18 : i32
      %add3A_20 = arith.addi %mul3A_6, %mul3A_19 : i32
      "tpu.region"() ({
        %run_scoped3A = tpu.sem_alloc : memref<!tpu.dma_semaphore, #tpu.memory_space<semaphore_mem>>
        %dma_start3A_27 = tpu.memref_slice %arg3[%add3A_20] : memref<320000xi32, #tpu.memory_space<hbm>> -> memref<80xi32, #tpu.memory_space<hbm>>
        %dma_start3A_28 = tpu.memref_slice %arg3[%add3A_20] : memref<320000xi32, #tpu.memory_space<hbm>> -> memref<80xi32, #tpu.memory_space<hbm>>
        tpu.enqueue_dma source(%dma_start3A_28 : memref<80xi32, #tpu.memory_space<hbm>>) target(%arg6 : memref<80xi32, #tpu.memory_space<vmem>>) target_semaphore(%run_scoped3A : memref<!tpu.dma_semaphore, #tpu.memory_space<semaphore_mem>>)
        %dma_wait3A_29 = tpu.memref_slice %arg3[%add3A_20] : memref<320000xi32, #tpu.memory_space<hbm>> -> memref<80xi32, #tpu.memory_space<hbm>>
        %dma_wait3A_30 = tpu.memref_slice %arg3[%add3A_20] : memref<320000xi32, #tpu.memory_space<hbm>> -> memref<80xi32, #tpu.memory_space<hbm>>
        tpu.wait_dma2 semaphore(%run_scoped3A : memref<!tpu.dma_semaphore, #tpu.memory_space<semaphore_mem>>) src(%dma_wait3A_30 : memref<80xi32, #tpu.memory_space<hbm>>) dst(%arg6 : memref<80xi32, #tpu.memory_space<vmem>>)
        tpu.yield
      }) : () -> ()
      %dma_start3A = arith.constant 0 : i32
      %dma_start3A_21 = tpu.memref_slice %arg2[%add3A_20, %dma_start3A] : memref<320000x128xf32, #tpu.memory_space<hbm>> -> memref<80x128xf32, #tpu.memory_space<hbm>>
      %dma_start3A_22 = arith.constant 0 : i32
      %dma_start3A_23 = tpu.memref_slice %arg2[%add3A_20, %dma_start3A_22] : memref<320000x128xf32, #tpu.memory_space<hbm>> -> memref<80x128xf32, #tpu.memory_space<hbm>>
      tpu.enqueue_dma source(%dma_start3A_23 : memref<80x128xf32, #tpu.memory_space<hbm>>) target(%arg7 : memref<80x128xf32, #tpu.memory_space<vmem>>) target_semaphore(%arg9 : memref<!tpu.dma_semaphore, #tpu.memory_space<semaphore_mem>>)
      %dma_wait3A = arith.constant 0 : i32
      %dma_wait3A_24 = tpu.memref_slice %arg2[%add3A_20, %dma_wait3A] : memref<320000x128xf32, #tpu.memory_space<hbm>> -> memref<80x128xf32, #tpu.memory_space<hbm>>
      %dma_wait3A_25 = arith.constant 0 : i32
      %dma_wait3A_26 = tpu.memref_slice %arg2[%add3A_20, %dma_wait3A_25] : memref<320000x128xf32, #tpu.memory_space<hbm>> -> memref<80x128xf32, #tpu.memory_space<hbm>>
      tpu.wait_dma2 semaphore(%arg9 : memref<!tpu.dma_semaphore, #tpu.memory_space<semaphore_mem>>) src(%dma_wait3A_26 : memref<80x128xf32, #tpu.memory_space<hbm>>) dst(%arg7 : memref<80x128xf32, #tpu.memory_space<vmem>>)
      "tpu.region"() ({
        %run_scoped3A = tpu.sem_alloc : memref<!tpu.dma_semaphore, #tpu.memory_space<semaphore_mem>>
        %dma_start3A_27 = arith.constant 0 : i32
        %dma_start3A_28 = arith.constant 0 : i32
        %dma_start3A_29 = tpu.memref_slice %arg8[%dma_start3A_27, %dma_start3A_28] : memref<10240x128xf32, #tpu.memory_space<vmem_shared>> -> memref<10240x128xf32, #tpu.memory_space<vmem_shared>>
        tpu.enqueue_indirect_dma source(%arg7 : memref<80x128xf32, #tpu.memory_space<vmem>>) target(%dma_start3A_29 : memref<10240x128xf32, #tpu.memory_space<vmem_shared>>) offsets(%arg6 : memref<80xi32, #tpu.memory_space<vmem>>) semaphore(%run_scoped3A : memref<!tpu.dma_semaphore, #tpu.memory_space<semaphore_mem>>) {add = true}
        %dma_wait3A_30 = arith.constant 0 : i32
        %dma_wait3A_31 = arith.constant 0 : i32
        %dma_wait3A_32 = tpu.memref_slice %arg8[%dma_wait3A_30, %dma_wait3A_31] : memref<10240x128xf32, #tpu.memory_space<vmem_shared>> -> memref<10240x128xf32, #tpu.memory_space<vmem_shared>>
        tpu.wait_indirect_dma semaphore(%run_scoped3A : memref<!tpu.dma_semaphore, #tpu.memory_space<semaphore_mem>>) src(%arg7 : memref<80x128xf32, #tpu.memory_space<vmem>>) dst(%dma_wait3A_32 : memref<10240x128xf32, #tpu.memory_space<vmem_shared>>)
        tpu.yield
      }) : () -> ()
    }
    %scan3A_11 = arith.constant 125 : i32
    %barrier3A_12 = arith.constant 0 : index
    tpu.barrier barrier_id(%barrier3A_12)
    %mul3A_13 = arith.constant 640 : i32
    %mul3A_14 = arith.muli %arg1, %mul3A_13 : i32
    %mul3A_15 = arith.constant 640 : i32
    %mul3A_16 = arith.muli %arg1, %mul3A_15 : i32
    "tpu.region"() ({
      %run_scoped3A = tpu.sem_alloc : memref<!tpu.dma_semaphore, #tpu.memory_space<semaphore_mem>>
      %dma_start3A = arith.constant 0 : i32
      %dma_start3A_17 = tpu.memref_slice %arg5[%arg0, %mul3A_16, %dma_start3A] : memref<2x10240x128xf32, #tpu.memory_space<hbm>> -> memref<1x640x128xf32, #tpu.memory_space<hbm>>
      %dma_start3A_18 = tpu.memref_squeeze %dma_start3A_17 : memref<1x640x128xf32, #tpu.memory_space<hbm>> -> memref<640x128xf32, #tpu.memory_space<hbm>>
      %dma_start3A_19 = arith.constant 0 : i32
      %dma_start3A_20 = tpu.memref_slice %arg8[%mul3A_14, %dma_start3A_19] : memref<10240x128xf32, #tpu.memory_space<vmem_shared>> -> memref<640x128xf32, #tpu.memory_space<vmem_shared>>
      tpu.enqueue_dma source(%dma_start3A_20 : memref<640x128xf32, #tpu.memory_space<vmem_shared>>) target(%dma_start3A_18 : memref<640x128xf32, #tpu.memory_space<hbm>>) target_semaphore(%run_scoped3A : memref<!tpu.dma_semaphore, #tpu.memory_space<semaphore_mem>>)
      %dma_wait3A = arith.constant 0 : i32
      %dma_wait3A_21 = tpu.memref_slice %arg5[%arg0, %mul3A_16, %dma_wait3A] : memref<2x10240x128xf32, #tpu.memory_space<hbm>> -> memref<1x640x128xf32, #tpu.memory_space<hbm>>
      %dma_wait3A_22 = tpu.memref_squeeze %dma_wait3A_21 : memref<1x640x128xf32, #tpu.memory_space<hbm>> -> memref<640x128xf32, #tpu.memory_space<hbm>>
      %dma_wait3A_23 = arith.constant 0 : i32
      %dma_wait3A_24 = tpu.memref_slice %arg8[%mul3A_14, %dma_wait3A_23] : memref<10240x128xf32, #tpu.memory_space<vmem_shared>> -> memref<640x128xf32, #tpu.memory_space<vmem_shared>>
      tpu.wait_dma2 semaphore(%run_scoped3A : memref<!tpu.dma_semaphore, #tpu.memory_space<semaphore_mem>>) src(%dma_wait3A_24 : memref<640x128xf32, #tpu.memory_space<vmem_shared>>) dst(%dma_wait3A_22 : memref<640x128xf32, #tpu.memory_space<hbm>>)
      tpu.yield
    }) : () -> ()
    return
  }
}

#map = affine_map<(d0, d1) -> (0, 0)>
#map1 = affine_map<(d0, d1) -> (0)>
#map2 = affine_map<(d0, d1) -> (0, 0, 0)>
module attributes {stable_mosaic.version = 14 : i64} {
  func.func @_scs_body(%arg0: i32, %arg1: i32, %arg2: memref<320000x128xf32, #tpu.memory_space<hbm>>, %arg3: memref<320000xi32, #tpu.memory_space<hbm>>, %arg4: memref<10240x128xf32, #tpu.memory_space<hbm>>, %arg5: memref<2x10240x128xf32, #tpu.memory_space<hbm>>, %arg6: memref<80xi32, #tpu.memory_space<vmem>>, %arg7: memref<80x128xf32, #tpu.memory_space<vmem>>, %arg8: memref<10240x128xf32, #tpu.memory_space<vmem_shared>>, %arg9: memref<!tpu.dma_semaphore, #tpu.memory_space<semaphore_mem>>) attributes {dimension_semantics = [#tpu.dimension_semantics<core_parallel>, #tpu.dimension_semantics<subcore_parallel>], iteration_bounds = array<i64: 2, 16>, scalar_prefetch = 0 : i64, scratch_operands = 4 : i64, tpu.core_type = #tpu.core_type<sc_vector_subcore>, window_params = [{transform_indices = #map}, {transform_indices = #map1}, {transform_indices = #map}, {transform_indices = #map2}]} {
    %mul3A = arith.constant 640 : i32
    %mul3A_0 = arith.muli %arg1, %mul3A : i32
    %mul3A_1 = arith.constant 640 : i32
    %mul3A_2 = arith.muli %arg1, %mul3A_1 : i32
    "tpu.region"() ({
      %run_scoped3A = tpu.sem_alloc : memref<!tpu.dma_semaphore, #tpu.memory_space<semaphore_mem>>
      %dma_start3A = arith.constant 0 : i32
      %dma_start3A_17 = tpu.memref_slice %arg8[%mul3A_2, %dma_start3A] : memref<10240x128xf32, #tpu.memory_space<vmem_shared>> -> memref<640x128xf32, #tpu.memory_space<vmem_shared>>
      %dma_start3A_18 = arith.constant 0 : i32
      %dma_start3A_19 = tpu.memref_slice %arg4[%mul3A_0, %dma_start3A_18] : memref<10240x128xf32, #tpu.memory_space<hbm>> -> memref<640x128xf32, #tpu.memory_space<hbm>>
      tpu.enqueue_dma source(%dma_start3A_19 : memref<640x128xf32, #tpu.memory_space<hbm>>) target(%dma_start3A_17 : memref<640x128xf32, #tpu.memory_space<vmem_shared>>) target_semaphore(%run_scoped3A : memref<!tpu.dma_semaphore, #tpu.memory_space<semaphore_mem>>)
      %dma_wait3A = arith.constant 0 : i32
      %dma_wait3A_20 = tpu.memref_slice %arg8[%mul3A_2, %dma_wait3A] : memref<10240x128xf32, #tpu.memory_space<vmem_shared>> -> memref<640x128xf32, #tpu.memory_space<vmem_shared>>
      %dma_wait3A_21 = arith.constant 0 : i32
      %dma_wait3A_22 = tpu.memref_slice %arg4[%mul3A_0, %dma_wait3A_21] : memref<10240x128xf32, #tpu.memory_space<hbm>> -> memref<640x128xf32, #tpu.memory_space<hbm>>
      tpu.wait_dma2 semaphore(%run_scoped3A : memref<!tpu.dma_semaphore, #tpu.memory_space<semaphore_mem>>) src(%dma_wait3A_22 : memref<640x128xf32, #tpu.memory_space<hbm>>) dst(%dma_wait3A_20 : memref<640x128xf32, #tpu.memory_space<vmem_shared>>)
      tpu.yield
    }) : () -> ()
    %barrier3A = arith.constant 0 : index
    tpu.barrier barrier_id(%barrier3A)
    %mul3A_3 = arith.constant 2 : i32
    %mul3A_4 = arith.muli %arg1, %mul3A_3 : i32
    %add3A = arith.addi %mul3A_4, %arg0 : i32
    %mul3A_5 = arith.constant 10000 : i32
    %mul3A_6 = arith.muli %add3A, %mul3A_5 : i32
    %scan3A = arith.constant 0 : i32
    %scan3A_7 = arith.constant 0 : i32
    %scan3A_8 = arith.constant 125 : i32
    %scan3A_9 = arith.addi %scan3A_7, %scan3A_8 : i32
    %scan3A_10 = arith.constant 1 : i32
    scf.for %scan3A_17 = %scan3A_7 to %scan3A_9 step %scan3A_10  : i32 {
      %mul3A_18 = arith.constant 80 : i32
      %mul3A_19 = arith.muli %scan3A_17, %mul3A_18 : i32
      %add3A_20 = arith.addi %mul3A_6, %mul3A_19 : i32
      "tpu.region"() ({
        %run_scoped3A = tpu.sem_alloc : memref<!tpu.dma_semaphore, #tpu.memory_space<semaphore_mem>>
        %dma_start3A_27 = tpu.memref_slice %arg3[%add3A_20] : memref<320000xi32, #tpu.memory_space<hbm>> -> memref<80xi32, #tpu.memory_space<hbm>>
        %dma_start3A_28 = tpu.memref_slice %arg3[%add3A_20] : memref<320000xi32, #tpu.memory_space<hbm>> -> memref<80xi32, #tpu.memory_space<hbm>>
        tpu.enqueue_dma source(%dma_start3A_28 : memref<80xi32, #tpu.memory_space<hbm>>) target(%arg6 : memref<80xi32, #tpu.memory_space<vmem>>) target_semaphore(%run_scoped3A : memref<!tpu.dma_semaphore, #tpu.memory_space<semaphore_mem>>)
        %dma_wait3A_29 = tpu.memref_slice %arg3[%add3A_20] : memref<320000xi32, #tpu.memory_space<hbm>> -> memref<80xi32, #tpu.memory_space<hbm>>
        %dma_wait3A_30 = tpu.memref_slice %arg3[%add3A_20] : memref<320000xi32, #tpu.memory_space<hbm>> -> memref<80xi32, #tpu.memory_space<hbm>>
        tpu.wait_dma2 semaphore(%run_scoped3A : memref<!tpu.dma_semaphore, #tpu.memory_space<semaphore_mem>>) src(%dma_wait3A_30 : memref<80xi32, #tpu.memory_space<hbm>>) dst(%arg6 : memref<80xi32, #tpu.memory_space<vmem>>)
        tpu.yield
      }) : () -> ()
      %dma_start3A = arith.constant 0 : i32
      %dma_start3A_21 = tpu.memref_slice %arg2[%add3A_20, %dma_start3A] : memref<320000x128xf32, #tpu.memory_space<hbm>> -> memref<80x128xf32, #tpu.memory_space<hbm>>
      %dma_start3A_22 = arith.constant 0 : i32
      %dma_start3A_23 = tpu.memref_slice %arg2[%add3A_20, %dma_start3A_22] : memref<320000x128xf32, #tpu.memory_space<hbm>> -> memref<80x128xf32, #tpu.memory_space<hbm>>
      tpu.enqueue_dma source(%dma_start3A_23 : memref<80x128xf32, #tpu.memory_space<hbm>>) target(%arg7 : memref<80x128xf32, #tpu.memory_space<vmem>>) target_semaphore(%arg9 : memref<!tpu.dma_semaphore, #tpu.memory_space<semaphore_mem>>)
      %dma_wait3A = arith.constant 0 : i32
      %dma_wait3A_24 = tpu.memref_slice %arg2[%add3A_20, %dma_wait3A] : memref<320000x128xf32, #tpu.memory_space<hbm>> -> memref<80x128xf32, #tpu.memory_space<hbm>>
      %dma_wait3A_25 = arith.constant 0 : i32
      %dma_wait3A_26 = tpu.memref_slice %arg2[%add3A_20, %dma_wait3A_25] : memref<320000x128xf32, #tpu.memory_space<hbm>> -> memref<80x128xf32, #tpu.memory_space<hbm>>
      tpu.wait_dma2 semaphore(%arg9 : memref<!tpu.dma_semaphore, #tpu.memory_space<semaphore_mem>>) src(%dma_wait3A_26 : memref<80x128xf32, #tpu.memory_space<hbm>>) dst(%arg7 : memref<80x128xf32, #tpu.memory_space<vmem>>)
      "tpu.region"() ({
        %run_scoped3A = tpu.sem_alloc : memref<!tpu.dma_semaphore, #tpu.memory_space<semaphore_mem>>
        %dma_start3A_27 = arith.constant 0 : i32
        %dma_start3A_28 = arith.constant 0 : i32
        %dma_start3A_29 = tpu.memref_slice %arg8[%dma_start3A_27, %dma_start3A_28] : memref<10240x128xf32, #tpu.memory_space<vmem_shared>> -> memref<10240x128xf32, #tpu.memory_space<vmem_shared>>
        tpu.enqueue_indirect_dma source(%arg7 : memref<80x128xf32, #tpu.memory_space<vmem>>) target(%dma_start3A_29 : memref<10240x128xf32, #tpu.memory_space<vmem_shared>>) offsets(%arg6 : memref<80xi32, #tpu.memory_space<vmem>>) semaphore(%run_scoped3A : memref<!tpu.dma_semaphore, #tpu.memory_space<semaphore_mem>>) {add = true}
        %dma_wait3A_30 = arith.constant 0 : i32
        %dma_wait3A_31 = arith.constant 0 : i32
        %dma_wait3A_32 = tpu.memref_slice %arg8[%dma_wait3A_30, %dma_wait3A_31] : memref<10240x128xf32, #tpu.memory_space<vmem_shared>> -> memref<10240x128xf32, #tpu.memory_space<vmem_shared>>
        tpu.wait_indirect_dma semaphore(%run_scoped3A : memref<!tpu.dma_semaphore, #tpu.memory_space<semaphore_mem>>) src(%arg7 : memref<80x128xf32, #tpu.memory_space<vmem>>) dst(%dma_wait3A_32 : memref<10240x128xf32, #tpu.memory_space<vmem_shared>>)
        tpu.yield
      }) : () -> ()
    }
    %scan3A_11 = arith.constant 125 : i32
    %barrier3A_12 = arith.constant 0 : index
    tpu.barrier barrier_id(%barrier3A_12)
    %mul3A_13 = arith.constant 640 : i32
    %mul3A_14 = arith.muli %arg1, %mul3A_13 : i32
    %mul3A_15 = arith.constant 640 : i32
    %mul3A_16 = arith.muli %arg1, %mul3A_15 : i32
    "tpu.region"() ({
      %run_scoped3A = tpu.sem_alloc : memref<!tpu.dma_semaphore, #tpu.memory_space<semaphore_mem>>
      %dma_start3A = arith.constant 0 : i32
      %dma_start3A_17 = tpu.memref_slice %arg5[%arg0, %mul3A_16, %dma_start3A] : memref<2x10240x128xf32, #tpu.memory_space<hbm>> -> memref<1x640x128xf32, #tpu.memory_space<hbm>>
      %dma_start3A_18 = tpu.memref_squeeze %dma_start3A_17 : memref<1x640x128xf32, #tpu.memory_space<hbm>> -> memref<640x128xf32, #tpu.memory_space<hbm>>
      %dma_start3A_19 = arith.constant 0 : i32
      %dma_start3A_20 = tpu.memref_slice %arg8[%mul3A_14, %dma_start3A_19] : memref<10240x128xf32, #tpu.memory_space<vmem_shared>> -> memref<640x128xf32, #tpu.memory_space<vmem_shared>>
      tpu.enqueue_dma source(%dma_start3A_20 : memref<640x128xf32, #tpu.memory_space<vmem_shared>>) target(%dma_start3A_18 : memref<640x128xf32, #tpu.memory_space<hbm>>) target_semaphore(%run_scoped3A : memref<!tpu.dma_semaphore, #tpu.memory_space<semaphore_mem>>)
      %dma_wait3A = arith.constant 0 : i32
      %dma_wait3A_21 = tpu.memref_slice %arg5[%arg0, %mul3A_16, %dma_wait3A] : memref<2x10240x128xf32, #tpu.memory_space<hbm>> -> memref<1x640x128xf32, #tpu.memory_space<hbm>>
      %dma_wait3A_22 = tpu.memref_squeeze %dma_wait3A_21 : memref<1x640x128xf32, #tpu.memory_space<hbm>> -> memref<640x128xf32, #tpu.memory_space<hbm>>
      %dma_wait3A_23 = arith.constant 0 : i32
      %dma_wait3A_24 = tpu.memref_slice %arg8[%mul3A_14, %dma_wait3A_23] : memref<10240x128xf32, #tpu.memory_space<vmem_shared>> -> memref<640x128xf32, #tpu.memory_space<vmem_shared>>
      tpu.wait_dma2 semaphore(%run_scoped3A : memref<!tpu.dma_semaphore, #tpu.memory_space<semaphore_mem>>) src(%dma_wait3A_24 : memref<640x128xf32, #tpu.memory_space<vmem_shared>>) dst(%dma_wait3A_22 : memref<640x128xf32, #tpu.memory_space<hbm>>)
      tpu.yield
    }) : () -> ()
    return
  }
}

#map = affine_map<(d0, d1) -> (0, 0)>
#map1 = affine_map<(d0, d1) -> (0)>
#map2 = affine_map<(d0, d1) -> (0, 0, 0)>
module attributes {stable_mosaic.version = 14 : i64} {
  func.func @_scs_body(%arg0: i32, %arg1: i32, %arg2: memref<320000x128xf32, #tpu.memory_space<hbm>>, %arg3: memref<320000xi32, #tpu.memory_space<hbm>>, %arg4: memref<10240x128xf32, #tpu.memory_space<hbm>>, %arg5: memref<2x10240x128xf32, #tpu.memory_space<hbm>>, %arg6: memref<80xi32, #tpu.memory_space<vmem>>, %arg7: memref<80x128xf32, #tpu.memory_space<vmem>>, %arg8: memref<10240x128xf32, #tpu.memory_space<vmem_shared>>, %arg9: memref<!tpu.dma_semaphore, #tpu.memory_space<semaphore_mem>>) attributes {dimension_semantics = [#tpu.dimension_semantics<core_parallel>, #tpu.dimension_semantics<subcore_parallel>], iteration_bounds = array<i64: 2, 16>, scalar_prefetch = 0 : i64, scratch_operands = 4 : i64, tpu.core_type = #tpu.core_type<sc_vector_subcore>, window_params = [{transform_indices = #map}, {transform_indices = #map1}, {transform_indices = #map}, {transform_indices = #map2}]} {
    %mul3A = arith.constant 640 : i32
    %mul3A_0 = arith.muli %arg1, %mul3A : i32
    %mul3A_1 = arith.constant 640 : i32
    %mul3A_2 = arith.muli %arg1, %mul3A_1 : i32
    "tpu.region"() ({
      %run_scoped3A = tpu.sem_alloc : memref<!tpu.dma_semaphore, #tpu.memory_space<semaphore_mem>>
      %dma_start3A = arith.constant 0 : i32
      %dma_start3A_17 = tpu.memref_slice %arg8[%mul3A_2, %dma_start3A] : memref<10240x128xf32, #tpu.memory_space<vmem_shared>> -> memref<640x128xf32, #tpu.memory_space<vmem_shared>>
      %dma_start3A_18 = arith.constant 0 : i32
      %dma_start3A_19 = tpu.memref_slice %arg4[%mul3A_0, %dma_start3A_18] : memref<10240x128xf32, #tpu.memory_space<hbm>> -> memref<640x128xf32, #tpu.memory_space<hbm>>
      tpu.enqueue_dma source(%dma_start3A_19 : memref<640x128xf32, #tpu.memory_space<hbm>>) target(%dma_start3A_17 : memref<640x128xf32, #tpu.memory_space<vmem_shared>>) target_semaphore(%run_scoped3A : memref<!tpu.dma_semaphore, #tpu.memory_space<semaphore_mem>>)
      %dma_wait3A = arith.constant 0 : i32
      %dma_wait3A_20 = tpu.memref_slice %arg8[%mul3A_2, %dma_wait3A] : memref<10240x128xf32, #tpu.memory_space<vmem_shared>> -> memref<640x128xf32, #tpu.memory_space<vmem_shared>>
      %dma_wait3A_21 = arith.constant 0 : i32
      %dma_wait3A_22 = tpu.memref_slice %arg4[%mul3A_0, %dma_wait3A_21] : memref<10240x128xf32, #tpu.memory_space<hbm>> -> memref<640x128xf32, #tpu.memory_space<hbm>>
      tpu.wait_dma2 semaphore(%run_scoped3A : memref<!tpu.dma_semaphore, #tpu.memory_space<semaphore_mem>>) src(%dma_wait3A_22 : memref<640x128xf32, #tpu.memory_space<hbm>>) dst(%dma_wait3A_20 : memref<640x128xf32, #tpu.memory_space<vmem_shared>>)
      tpu.yield
    }) : () -> ()
    %barrier3A = arith.constant 0 : index
    tpu.barrier barrier_id(%barrier3A)
    %mul3A_3 = arith.constant 2 : i32
    %mul3A_4 = arith.muli %arg1, %mul3A_3 : i32
    %add3A = arith.addi %mul3A_4, %arg0 : i32
    %mul3A_5 = arith.constant 10000 : i32
    %mul3A_6 = arith.muli %add3A, %mul3A_5 : i32
    %scan3A = arith.constant 0 : i32
    %scan3A_7 = arith.constant 0 : i32
    %scan3A_8 = arith.constant 125 : i32
    %scan3A_9 = arith.addi %scan3A_7, %scan3A_8 : i32
    %scan3A_10 = arith.constant 1 : i32
    scf.for %scan3A_17 = %scan3A_7 to %scan3A_9 step %scan3A_10  : i32 {
      %mul3A_18 = arith.constant 80 : i32
      %mul3A_19 = arith.muli %scan3A_17, %mul3A_18 : i32
      %add3A_20 = arith.addi %mul3A_6, %mul3A_19 : i32
      "tpu.region"() ({
        %run_scoped3A = tpu.sem_alloc : memref<!tpu.dma_semaphore, #tpu.memory_space<semaphore_mem>>
        %dma_start3A_27 = tpu.memref_slice %arg3[%add3A_20] : memref<320000xi32, #tpu.memory_space<hbm>> -> memref<80xi32, #tpu.memory_space<hbm>>
        %dma_start3A_28 = tpu.memref_slice %arg3[%add3A_20] : memref<320000xi32, #tpu.memory_space<hbm>> -> memref<80xi32, #tpu.memory_space<hbm>>
        tpu.enqueue_dma source(%dma_start3A_28 : memref<80xi32, #tpu.memory_space<hbm>>) target(%arg6 : memref<80xi32, #tpu.memory_space<vmem>>) target_semaphore(%run_scoped3A : memref<!tpu.dma_semaphore, #tpu.memory_space<semaphore_mem>>)
        %dma_wait3A_29 = tpu.memref_slice %arg3[%add3A_20] : memref<320000xi32, #tpu.memory_space<hbm>> -> memref<80xi32, #tpu.memory_space<hbm>>
        %dma_wait3A_30 = tpu.memref_slice %arg3[%add3A_20] : memref<320000xi32, #tpu.memory_space<hbm>> -> memref<80xi32, #tpu.memory_space<hbm>>
        tpu.wait_dma2 semaphore(%run_scoped3A : memref<!tpu.dma_semaphore, #tpu.memory_space<semaphore_mem>>) src(%dma_wait3A_30 : memref<80xi32, #tpu.memory_space<hbm>>) dst(%arg6 : memref<80xi32, #tpu.memory_space<vmem>>)
        tpu.yield
      }) : () -> ()
      %dma_start3A = arith.constant 0 : i32
      %dma_start3A_21 = tpu.memref_slice %arg2[%add3A_20, %dma_start3A] : memref<320000x128xf32, #tpu.memory_space<hbm>> -> memref<80x128xf32, #tpu.memory_space<hbm>>
      %dma_start3A_22 = arith.constant 0 : i32
      %dma_start3A_23 = tpu.memref_slice %arg2[%add3A_20, %dma_start3A_22] : memref<320000x128xf32, #tpu.memory_space<hbm>> -> memref<80x128xf32, #tpu.memory_space<hbm>>
      tpu.enqueue_dma source(%dma_start3A_23 : memref<80x128xf32, #tpu.memory_space<hbm>>) target(%arg7 : memref<80x128xf32, #tpu.memory_space<vmem>>) target_semaphore(%arg9 : memref<!tpu.dma_semaphore, #tpu.memory_space<semaphore_mem>>)
      %dma_wait3A = arith.constant 0 : i32
      %dma_wait3A_24 = tpu.memref_slice %arg2[%add3A_20, %dma_wait3A] : memref<320000x128xf32, #tpu.memory_space<hbm>> -> memref<80x128xf32, #tpu.memory_space<hbm>>
      %dma_wait3A_25 = arith.constant 0 : i32
      %dma_wait3A_26 = tpu.memref_slice %arg2[%add3A_20, %dma_wait3A_25] : memref<320000x128xf32, #tpu.memory_space<hbm>> -> memref<80x128xf32, #tpu.memory_space<hbm>>
      tpu.wait_dma2 semaphore(%arg9 : memref<!tpu.dma_semaphore, #tpu.memory_space<semaphore_mem>>) src(%dma_wait3A_26 : memref<80x128xf32, #tpu.memory_space<hbm>>) dst(%arg7 : memref<80x128xf32, #tpu.memory_space<vmem>>)
      "tpu.region"() ({
        %run_scoped3A = tpu.sem_alloc : memref<!tpu.dma_semaphore, #tpu.memory_space<semaphore_mem>>
        %dma_start3A_27 = arith.constant 0 : i32
        %dma_start3A_28 = arith.constant 0 : i32
        %dma_start3A_29 = tpu.memref_slice %arg8[%dma_start3A_27, %dma_start3A_28] : memref<10240x128xf32, #tpu.memory_space<vmem_shared>> -> memref<10240x128xf32, #tpu.memory_space<vmem_shared>>
        tpu.enqueue_indirect_dma source(%arg7 : memref<80x128xf32, #tpu.memory_space<vmem>>) target(%dma_start3A_29 : memref<10240x128xf32, #tpu.memory_space<vmem_shared>>) offsets(%arg6 : memref<80xi32, #tpu.memory_space<vmem>>) semaphore(%run_scoped3A : memref<!tpu.dma_semaphore, #tpu.memory_space<semaphore_mem>>) {add = true}
        %dma_wait3A_30 = arith.constant 0 : i32
        %dma_wait3A_31 = arith.constant 0 : i32
        %dma_wait3A_32 = tpu.memref_slice %arg8[%dma_wait3A_30, %dma_wait3A_31] : memref<10240x128xf32, #tpu.memory_space<vmem_shared>> -> memref<10240x128xf32, #tpu.memory_space<vmem_shared>>
        tpu.wait_indirect_dma semaphore(%run_scoped3A : memref<!tpu.dma_semaphore, #tpu.memory_space<semaphore_mem>>) src(%arg7 : memref<80x128xf32, #tpu.memory_space<vmem>>) dst(%dma_wait3A_32 : memref<10240x128xf32, #tpu.memory_space<vmem_shared>>)
        tpu.yield
      }) : () -> ()
    }
    %scan3A_11 = arith.constant 125 : i32
    %barrier3A_12 = arith.constant 0 : index
    tpu.barrier barrier_id(%barrier3A_12)
    %mul3A_13 = arith.constant 640 : i32
    %mul3A_14 = arith.muli %arg1, %mul3A_13 : i32
    %mul3A_15 = arith.constant 640 : i32
    %mul3A_16 = arith.muli %arg1, %mul3A_15 : i32
    "tpu.region"() ({
      %run_scoped3A = tpu.sem_alloc : memref<!tpu.dma_semaphore, #tpu.memory_space<semaphore_mem>>
      %dma_start3A = arith.constant 0 : i32
      %dma_start3A_17 = tpu.memref_slice %arg5[%arg0, %mul3A_16, %dma_start3A] : memref<2x10240x128xf32, #tpu.memory_space<hbm>> -> memref<1x640x128xf32, #tpu.memory_space<hbm>>
      %dma_start3A_18 = tpu.memref_squeeze %dma_start3A_17 : memref<1x640x128xf32, #tpu.memory_space<hbm>> -> memref<640x128xf32, #tpu.memory_space<hbm>>
      %dma_start3A_19 = arith.constant 0 : i32
      %dma_start3A_20 = tpu.memref_slice %arg8[%mul3A_14, %dma_start3A_19] : memref<10240x128xf32, #tpu.memory_space<vmem_shared>> -> memref<640x128xf32, #tpu.memory_space<vmem_shared>>
      tpu.enqueue_dma source(%dma_start3A_20 : memref<640x128xf32, #tpu.memory_space<vmem_shared>>) target(%dma_start3A_18 : memref<640x128xf32, #tpu.memory_space<hbm>>) target_semaphore(%run_scoped3A : memref<!tpu.dma_semaphore, #tpu.memory_space<semaphore_mem>>)
      %dma_wait3A = arith.constant 0 : i32
      %dma_wait3A_21 = tpu.memref_slice %arg5[%arg0, %mul3A_16, %dma_wait3A] : memref<2x10240x128xf32, #tpu.memory_space<hbm>> -> memref<1x640x128xf32, #tpu.memory_space<hbm>>
      %dma_wait3A_22 = tpu.memref_squeeze %dma_wait3A_21 : memref<1x640x128xf32, #tpu.memory_space<hbm>> -> memref<640x128xf32, #tpu.memory_space<hbm>>
      %dma_wait3A_23 = arith.constant 0 : i32
      %dma_wait3A_24 = tpu.memref_slice %arg8[%mul3A_14, %dma_wait3A_23] : memref<10240x128xf32, #tpu.memory_space<vmem_shared>> -> memref<640x128xf32, #tpu.memory_space<vmem_shared>>
      tpu.wait_dma2 semaphore(%run_scoped3A : memref<!tpu.dma_semaphore, #tpu.memory_space<semaphore_mem>>) src(%dma_wait3A_24 : memref<640x128xf32, #tpu.memory_space<vmem_shared>>) dst(%dma_wait3A_22 : memref<640x128xf32, #tpu.memory_space<hbm>>)
      tpu.yield
    }) : () -> ()
    return
  }
}

module attributes {stable_mosaic.version = 14 : i64} {
  func.func @_edge_mlp_body(%arg0: i32, %arg1: memref<2560x16xf32, #tpu.memory_space<vmem>>, %arg2: memref<16x256xf32, #tpu.memory_space<vmem>>, %arg3: memref<1x256xf32, #tpu.memory_space<vmem>>, %arg4: memref<256x256xf32, #tpu.memory_space<vmem>>, %arg5: memref<1x256xf32, #tpu.memory_space<vmem>>, %arg6: memref<256x128xf32, #tpu.memory_space<vmem>>, %arg7: memref<1x128xf32, #tpu.memory_space<vmem>>, %arg8: memref<256x256xf32, #tpu.memory_space<vmem>>, %arg9: memref<1x256xf32, #tpu.memory_space<vmem>>, %arg10: memref<2560x128xf32, #tpu.memory_space<vmem>>, %arg11: memref<2560x128xf32, #tpu.memory_space<vmem>>, %arg12: memref<2560x128xf32, #tpu.memory_space<vmem>>) attributes {dimension_semantics = [#tpu.dimension_semantics<arbitrary>], iteration_bounds = array<i64: 125>, scalar_prefetch = 0 : i64, scratch_operands = 0 : i64, tpu.core_type = #tpu.core_type<tc>, window_params = [{transform_indices = @transform_0, window_bounds = array<i64: 2560, 16>}, {pipeline_mode = #tpu.pipeline_mode<synchronous>, transform_indices = @transform_1, window_bounds = array<i64: 16, 256>}, {pipeline_mode = #tpu.pipeline_mode<synchronous>, transform_indices = @transform_2, window_bounds = array<i64: 1, 256>}, {pipeline_mode = #tpu.pipeline_mode<synchronous>, transform_indices = @transform_3, window_bounds = array<i64: 256, 256>}, {pipeline_mode = #tpu.pipeline_mode<synchronous>, transform_indices = @transform_4, window_bounds = array<i64: 1, 256>}, {pipeline_mode = #tpu.pipeline_mode<synchronous>, transform_indices = @transform_5, window_bounds = array<i64: 256, 128>}, {pipeline_mode = #tpu.pipeline_mode<synchronous>, transform_indices = @transform_6, window_bounds = array<i64: 1, 128>}, {pipeline_mode = #tpu.pipeline_mode<synchronous>, transform_indices = @transform_7, window_bounds = array<i64: 256, 256>}, {pipeline_mode = #tpu.pipeline_mode<synchronous>, transform_indices = @transform_8, window_bounds = array<i64: 1, 256>}, {transform_indices = @transform_9, window_bounds = array<i64: 2560, 128>}, {transform_indices = @transform_10, window_bounds = array<i64: 2560, 128>}, {transform_indices = @transform_11, window_bounds = array<i64: 2560, 128>}]} {
    %get3A = arith.constant 0 : index
    %get3A_0 = arith.constant 0 : index
    %get3A_1 = vector.load %arg1[%get3A, %get3A_0] : memref<2560x16xf32, #tpu.memory_space<vmem>>, vector<2560x16xf32>
    %get3A_2 = arith.constant 0 : index
    %get3A_3 = arith.constant 0 : index
    %get3A_4 = vector.load %arg2[%get3A_2, %get3A_3] : memref<16x256xf32, #tpu.memory_space<vmem>>, vector<16x256xf32>
    %dot_general3A = arith.constant dense<0.000000e+00> : vector<2560x256xf32>
    %dot_general3A_5 = tpu.matmul %get3A_1, %get3A_4, %dot_general3A {dimension_numbers = #tpu.dot_dimension_numbers<[1], [0], [0], [1], [0, 0, 1, 1], [], []>, precision = #tpu.contract_precision<fp32>, transpose_lhs_hint = false} : vector<2560x16xf32>, vector<16x256xf32>, vector<2560x256xf32> -> vector<2560x256xf32>
    %get3A_6 = arith.constant 0 : index
    %get3A_7 = arith.constant 0 : index
    %get3A_8 = vector.load %arg3[%get3A_6, %get3A_7] : memref<1x256xf32, #tpu.memory_space<vmem>>, vector<1x256xf32>
    %add3A = vector.broadcast %get3A_8 : vector<1x256xf32> to vector<2560x256xf32>
    %add3A_9 = arith.addf %dot_general3A_5, %add3A : vector<2560x256xf32>
    %max3A = arith.constant 0.000000e+00 : f32
    %max3A_10 = vector.broadcast %max3A : f32 to vector<2560x256xf32>
    %max3A_11 = arith.maximumf %add3A_9, %max3A_10 : vector<2560x256xf32>
    %get3A_12 = arith.constant 0 : index
    %get3A_13 = arith.constant 0 : index
    %get3A_14 = vector.load %arg4[%get3A_12, %get3A_13] : memref<256x256xf32, #tpu.memory_space<vmem>>, vector<256x256xf32>
    %dot_general3A_15 = arith.constant dense<0.000000e+00> : vector<2560x256xf32>
    %dot_general3A_16 = tpu.matmul %max3A_11, %get3A_14, %dot_general3A_15 {dimension_numbers = #tpu.dot_dimension_numbers<[1], [0], [0], [1], [0, 0, 1, 1], [], []>, precision = #tpu.contract_precision<fp32>, transpose_lhs_hint = false} : vector<2560x256xf32>, vector<256x256xf32>, vector<2560x256xf32> -> vector<2560x256xf32>
    %get3A_17 = arith.constant 0 : index
    %get3A_18 = arith.constant 0 : index
    %get3A_19 = vector.load %arg5[%get3A_17, %get3A_18] : memref<1x256xf32, #tpu.memory_space<vmem>>, vector<1x256xf32>
    %add3A_20 = vector.broadcast %get3A_19 : vector<1x256xf32> to vector<2560x256xf32>
    %add3A_21 = arith.addf %dot_general3A_16, %add3A_20 : vector<2560x256xf32>
    %get3A_22 = arith.constant 0 : index
    %get3A_23 = arith.constant 0 : index
    %get3A_24 = vector.load %arg6[%get3A_22, %get3A_23] : memref<256x128xf32, #tpu.memory_space<vmem>>, vector<256x128xf32>
    %dot_general3A_25 = arith.constant dense<0.000000e+00> : vector<2560x128xf32>
    %dot_general3A_26 = tpu.matmul %add3A_21, %get3A_24, %dot_general3A_25 {dimension_numbers = #tpu.dot_dimension_numbers<[1], [0], [0], [1], [0, 0, 1, 1], [], []>, precision = #tpu.contract_precision<fp32>, transpose_lhs_hint = false} : vector<2560x256xf32>, vector<256x128xf32>, vector<2560x128xf32> -> vector<2560x128xf32>
    %get3A_27 = arith.constant 0 : index
    %get3A_28 = arith.constant 0 : index
    %get3A_29 = vector.load %arg7[%get3A_27, %get3A_28] : memref<1x128xf32, #tpu.memory_space<vmem>>, vector<1x128xf32>
    %add3A_30 = vector.broadcast %get3A_29 : vector<1x128xf32> to vector<2560x128xf32>
    %add3A_31 = arith.addf %dot_general3A_26, %add3A_30 : vector<2560x128xf32>
    %swap3A = arith.constant 0 : index
    %swap3A_32 = arith.constant 0 : index
    %swap3A_33 = vector.load %arg10[%swap3A, %swap3A_32] : memref<2560x128xf32, #tpu.memory_space<vmem>>, vector<2560x128xf32>
    tpu.vector_store %arg10[%swap3A, %swap3A_32], %add3A_31 {strides = array<i32>} : memref<2560x128xf32, #tpu.memory_space<vmem>>, vector<2560x128xf32>,
    %get3A_34 = arith.constant 0 : index
    %get3A_35 = arith.constant 0 : index
    %get3A_36 = vector.load %arg8[%get3A_34, %get3A_35] : memref<256x256xf32, #tpu.memory_space<vmem>>, vector<256x256xf32>
    %dot_general3A_37 = arith.constant dense<0.000000e+00> : vector<2560x256xf32>
    %dot_general3A_38 = tpu.matmul %add3A_21, %get3A_36, %dot_general3A_37 {dimension_numbers = #tpu.dot_dimension_numbers<[1], [0], [0], [1], [0, 0, 1, 1], [], []>, precision = #tpu.contract_precision<fp32>, transpose_lhs_hint = false} : vector<2560x256xf32>, vector<256x256xf32>, vector<2560x256xf32> -> vector<2560x256xf32>
    %get3A_39 = arith.constant 0 : index
    %get3A_40 = arith.constant 0 : index
    %get3A_41 = vector.load %arg9[%get3A_39, %get3A_40] : memref<1x256xf32, #tpu.memory_space<vmem>>, vector<1x256xf32>
    %add3A_42 = vector.broadcast %get3A_41 : vector<1x256xf32> to vector<2560x256xf32>
    %add3A_43 = arith.addf %dot_general3A_38, %add3A_42 : vector<2560x256xf32>
    %slice3A = vector.extract_strided_slice %add3A_43 {offsets = [0, 0], sizes = [2560, 128], strides = [1, 1]} : vector<2560x256xf32> to vector<2560x128xf32>
    %swap3A_44 = arith.constant 0 : index
    %swap3A_45 = arith.constant 0 : index
    %swap3A_46 = vector.load %arg11[%swap3A_44, %swap3A_45] : memref<2560x128xf32, #tpu.memory_space<vmem>>, vector<2560x128xf32>
    tpu.vector_store %arg11[%swap3A_44, %swap3A_45], %slice3A {strides = array<i32>} : memref<2560x128xf32, #tpu.memory_space<vmem>>, vector<2560x128xf32>,
    %slice3A_47 = vector.extract_strided_slice %add3A_43 {offsets = [0, 128], sizes = [2560, 128], strides = [1, 1]} : vector<2560x256xf32> to vector<2560x128xf32>
    %swap3A_48 = arith.constant 0 : index
    %swap3A_49 = arith.constant 0 : index
    %swap3A_50 = vector.load %arg12[%swap3A_48, %swap3A_49] : memref<2560x128xf32, #tpu.memory_space<vmem>>, vector<2560x128xf32>
    tpu.vector_store %arg12[%swap3A_48, %swap3A_49], %slice3A_47 {strides = array<i32>} : memref<2560x128xf32, #tpu.memory_space<vmem>>, vector<2560x128xf32>,
    return
  }
  func.func @transform_0(%arg0: i32) -> (i32, i32) {
    %c0_i32 = arith.constant 0 : i32
    %c0_i32_0 = arith.constant 0 : i32
    return %arg0, %c0_i32 : i32, i32
  }
  func.func @transform_1(%arg0: i32) -> (i32, i32) {
    %c0_i32 = arith.constant 0 : i32
    %c0_i32_0 = arith.constant 0 : i32
    %c0_i32_1 = arith.constant 0 : i32
    return %c0_i32, %c0_i32_0 : i32, i32
  }
  func.func @transform_2(%arg0: i32) -> (i32, i32) {
    %c0_i32 = arith.constant 0 : i32
    %c0_i32_0 = arith.constant 0 : i32
    %c0_i32_1 = arith.constant 0 : i32
    return %c0_i32, %c0_i32_0 : i32, i32
  }
  func.func @transform_3(%arg0: i32) -> (i32, i32) {
    %c0_i32 = arith.constant 0 : i32
    %c0_i32_0 = arith.constant 0 : i32
    %c0_i32_1 = arith.constant 0 : i32
    return %c0_i32, %c0_i32_0 : i32, i32
  }
  func.func @transform_4(%arg0: i32) -> (i32, i32) {
    %c0_i32 = arith.constant 0 : i32
    %c0_i32_0 = arith.constant 0 : i32
    %c0_i32_1 = arith.constant 0 : i32
    return %c0_i32, %c0_i32_0 : i32, i32
  }
  func.func @transform_5(%arg0: i32) -> (i32, i32) {
    %c0_i32 = arith.constant 0 : i32
    %c0_i32_0 = arith.constant 0 : i32
    %c0_i32_1 = arith.constant 0 : i32
    return %c0_i32, %c0_i32_0 : i32, i32
  }
  func.func @transform_6(%arg0: i32) -> (i32, i32) {
    %c0_i32 = arith.constant 0 : i32
    %c0_i32_0 = arith.constant 0 : i32
    %c0_i32_1 = arith.constant 0 : i32
    return %c0_i32, %c0_i32_0 : i32, i32
  }
  func.func @transform_7(%arg0: i32) -> (i32, i32) {
    %c0_i32 = arith.constant 0 : i32
    %c0_i32_0 = arith.constant 0 : i32
    %c0_i32_1 = arith.constant 0 : i32
    return %c0_i32, %c0_i32_0 : i32, i32
  }
  func.func @transform_8(%arg0: i32) -> (i32, i32) {
    %c0_i32 = arith.constant 0 : i32
    %c0_i32_0 = arith.constant 0 : i32
    %c0_i32_1 = arith.constant 0 : i32
    return %c0_i32, %c0_i32_0 : i32, i32
  }
  func.func @transform_9(%arg0: i32) -> (i32, i32) {
    %c0_i32 = arith.constant 0 : i32
    %c0_i32_0 = arith.constant 0 : i32
    return %arg0, %c0_i32 : i32, i32
  }
  func.func @transform_10(%arg0: i32) -> (i32, i32) {
    %c0_i32 = arith.constant 0 : i32
    %c0_i32_0 = arith.constant 0 : i32
    return %arg0, %c0_i32 : i32, i32
  }
  func.func @transform_11(%arg0: i32) -> (i32, i32) {
    %c0_i32 = arith.constant 0 : i32
    %c0_i32_0 = arith.constant 0 : i32
    return %arg0, %c0_i32 : i32, i32
  }
}

module attributes {stable_mosaic.version = 14 : i64} {
  func.func @_node1_body(%arg0: i32, %arg1: memref<2000x128xf32, #tpu.memory_space<vmem>>, %arg2: memref<2x2000x128xf32, #tpu.memory_space<vmem>>, %arg3: memref<128x256xf32, #tpu.memory_space<vmem>>, %arg4: memref<1x256xf32, #tpu.memory_space<vmem>>, %arg5: memref<256x256xf32, #tpu.memory_space<vmem>>, %arg6: memref<1x256xf32, #tpu.memory_space<vmem>>, %arg7: memref<2000x128xf32, #tpu.memory_space<vmem>>, %arg8: memref<2000x128xf32, #tpu.memory_space<vmem>>) attributes {dimension_semantics = [#tpu.dimension_semantics<arbitrary>], iteration_bounds = array<i64: 5>, scalar_prefetch = 0 : i64, scratch_operands = 0 : i64, tpu.core_type = #tpu.core_type<tc>, window_params = [{transform_indices = @transform_0, window_bounds = array<i64: 2000, 128>}, {transform_indices = @transform_1, window_bounds = array<i64: 2, 2000, 128>}, {pipeline_mode = #tpu.pipeline_mode<synchronous>, transform_indices = @transform_2, window_bounds = array<i64: 128, 256>}, {pipeline_mode = #tpu.pipeline_mode<synchronous>, transform_indices = @transform_3, window_bounds = array<i64: 1, 256>}, {pipeline_mode = #tpu.pipeline_mode<synchronous>, transform_indices = @transform_4, window_bounds = array<i64: 256, 256>}, {pipeline_mode = #tpu.pipeline_mode<synchronous>, transform_indices = @transform_5, window_bounds = array<i64: 1, 256>}, {transform_indices = @transform_6, window_bounds = array<i64: 2000, 128>}, {transform_indices = @transform_7, window_bounds = array<i64: 2000, 128>}]} {
    %get3A = arith.constant 0 : index
    %get3A_0 = arith.constant 0 : index
    %get3A_1 = vector.load %arg1[%get3A, %get3A_0] : memref<2000x128xf32, #tpu.memory_space<vmem>>, vector<2000x128xf32>
    %get3A_2 = arith.constant 0 : index
    %get3A_3 = arith.constant 0 : index
    %get3A_4 = arith.constant 0 : index
    %get3A_5 = vector.load %arg2[%get3A_2, %get3A_3, %get3A_4] : memref<2x2000x128xf32, #tpu.memory_space<vmem>>, vector<1x2000x128xf32>
    %get3A_6 = vector.shape_cast %get3A_5 : vector<1x2000x128xf32> to vector<2000x128xf32>
    %add3A = arith.addf %get3A_1, %get3A_6 : vector<2000x128xf32>
    %get3A_7 = arith.constant 1 : index
    %get3A_8 = arith.constant 0 : index
    %get3A_9 = arith.constant 0 : index
    %get3A_10 = vector.load %arg2[%get3A_7, %get3A_8, %get3A_9] : memref<2x2000x128xf32, #tpu.memory_space<vmem>>, vector<1x2000x128xf32>
    %get3A_11 = vector.shape_cast %get3A_10 : vector<1x2000x128xf32> to vector<2000x128xf32>
    %add3A_12 = arith.addf %add3A, %get3A_11 : vector<2000x128xf32>
    %get3A_13 = arith.constant 0 : index
    %get3A_14 = arith.constant 0 : index
    %get3A_15 = vector.load %arg3[%get3A_13, %get3A_14] : memref<128x256xf32, #tpu.memory_space<vmem>>, vector<128x256xf32>
    %dot_general3A = arith.constant dense<0.000000e+00> : vector<2000x256xf32>
    %dot_general3A_16 = tpu.matmul %add3A_12, %get3A_15, %dot_general3A {dimension_numbers = #tpu.dot_dimension_numbers<[1], [0], [0], [1], [0, 0, 1, 1], [], []>, precision = #tpu.contract_precision<fp32>, transpose_lhs_hint = false} : vector<2000x128xf32>, vector<128x256xf32>, vector<2000x256xf32> -> vector<2000x256xf32>
    %get3A_17 = arith.constant 0 : index
    %get3A_18 = arith.constant 0 : index
    %get3A_19 = vector.load %arg4[%get3A_17, %get3A_18] : memref<1x256xf32, #tpu.memory_space<vmem>>, vector<1x256xf32>
    %add3A_20 = vector.broadcast %get3A_19 : vector<1x256xf32> to vector<2000x256xf32>
    %add3A_21 = arith.addf %dot_general3A_16, %add3A_20 : vector<2000x256xf32>
    %max3A = arith.constant 0.000000e+00 : f32
    %max3A_22 = vector.broadcast %max3A : f32 to vector<2000x256xf32>
    %max3A_23 = arith.maximumf %add3A_21, %max3A_22 : vector<2000x256xf32>
    %get3A_24 = arith.constant 0 : index
    %get3A_25 = arith.constant 0 : index
    %get3A_26 = vector.load %arg5[%get3A_24, %get3A_25] : memref<256x256xf32, #tpu.memory_space<vmem>>, vector<256x256xf32>
    %dot_general3A_27 = arith.constant dense<0.000000e+00> : vector<2000x256xf32>
    %dot_general3A_28 = tpu.matmul %max3A_23, %get3A_26, %dot_general3A_27 {dimension_numbers = #tpu.dot_dimension_numbers<[1], [0], [0], [1], [0, 0, 1, 1], [], []>, precision = #tpu.contract_precision<fp32>, transpose_lhs_hint = false} : vector<2000x256xf32>, vector<256x256xf32>, vector<2000x256xf32> -> vector<2000x256xf32>
    %get3A_29 = arith.constant 0 : index
    %get3A_30 = arith.constant 0 : index
    %get3A_31 = vector.load %arg6[%get3A_29, %get3A_30] : memref<1x256xf32, #tpu.memory_space<vmem>>, vector<1x256xf32>
    %add3A_32 = vector.broadcast %get3A_31 : vector<1x256xf32> to vector<2000x256xf32>
    %add3A_33 = arith.addf %dot_general3A_28, %add3A_32 : vector<2000x256xf32>
    %max3A_34 = arith.constant 0.000000e+00 : f32
    %max3A_35 = vector.broadcast %max3A_34 : f32 to vector<2000x256xf32>
    %max3A_36 = arith.maximumf %add3A_33, %max3A_35 : vector<2000x256xf32>
    %slice3A = vector.extract_strided_slice %max3A_36 {offsets = [0, 0], sizes = [2000, 128], strides = [1, 1]} : vector<2000x256xf32> to vector<2000x128xf32>
    %swap3A = arith.constant 0 : index
    %swap3A_37 = arith.constant 0 : index
    %swap3A_38 = vector.load %arg7[%swap3A, %swap3A_37] : memref<2000x128xf32, #tpu.memory_space<vmem>>, vector<2000x128xf32>
    tpu.vector_store %arg7[%swap3A, %swap3A_37], %slice3A {strides = array<i32>} : memref<2000x128xf32, #tpu.memory_space<vmem>>, vector<2000x128xf32>,
    %slice3A_39 = vector.extract_strided_slice %max3A_36 {offsets = [0, 128], sizes = [2000, 128], strides = [1, 1]} : vector<2000x256xf32> to vector<2000x128xf32>
    %swap3A_40 = arith.constant 0 : index
    %swap3A_41 = arith.constant 0 : index
    %swap3A_42 = vector.load %arg8[%swap3A_40, %swap3A_41] : memref<2000x128xf32, #tpu.memory_space<vmem>>, vector<2000x128xf32>
    tpu.vector_store %arg8[%swap3A_40, %swap3A_41], %slice3A_39 {strides = array<i32>} : memref<2000x128xf32, #tpu.memory_space<vmem>>, vector<2000x128xf32>,
    return
  }
  func.func @transform_0(%arg0: i32) -> (i32, i32) {
    %c0_i32 = arith.constant 0 : i32
    %c0_i32_0 = arith.constant 0 : i32
    return %arg0, %c0_i32 : i32, i32
  }
  func.func @transform_1(%arg0: i32) -> (i32, i32, i32) {
    %c0_i32 = arith.constant 0 : i32
    %c0_i32_0 = arith.constant 0 : i32
    %c0_i32_1 = arith.constant 0 : i32
    return %c0_i32, %arg0, %c0_i32_0 : i32, i32, i32
  }
  func.func @transform_2(%arg0: i32) -> (i32, i32) {
    %c0_i32 = arith.constant 0 : i32
    %c0_i32_0 = arith.constant 0 : i32
    %c0_i32_1 = arith.constant 0 : i32
    return %c0_i32, %c0_i32_0 : i32, i32
  }
  func.func @transform_3(%arg0: i32) -> (i32, i32) {
    %c0_i32 = arith.constant 0 : i32
    %c0_i32_0 = arith.constant 0 : i32
    %c0_i32_1 = arith.constant 0 : i32
    return %c0_i32, %c0_i32_0 : i32, i32
  }
  func.func @transform_4(%arg0: i32) -> (i32, i32) {
    %c0_i32 = arith.constant 0 : i32
    %c0_i32_0 = arith.constant 0 : i32
    %c0_i32_1 = arith.constant 0 : i32
    return %c0_i32, %c0_i32_0 : i32, i32
  }
  func.func @transform_5(%arg0: i32) -> (i32, i32) {
    %c0_i32 = arith.constant 0 : i32
    %c0_i32_0 = arith.constant 0 : i32
    %c0_i32_1 = arith.constant 0 : i32
    return %c0_i32, %c0_i32_0 : i32, i32
  }
  func.func @transform_6(%arg0: i32) -> (i32, i32) {
    %c0_i32 = arith.constant 0 : i32
    %c0_i32_0 = arith.constant 0 : i32
    return %arg0, %c0_i32 : i32, i32
  }
  func.func @transform_7(%arg0: i32) -> (i32, i32) {
    %c0_i32 = arith.constant 0 : i32
    %c0_i32_0 = arith.constant 0 : i32
    return %arg0, %c0_i32 : i32, i32
  }
}

module attributes {stable_mosaic.version = 14 : i64} {
  func.func @_final_body(%arg0: i32, %arg1: memref<2000x128xf32, #tpu.memory_space<vmem>>, %arg2: memref<2000x128xf32, #tpu.memory_space<vmem>>, %arg3: memref<2x2000x128xf32, #tpu.memory_space<vmem>>, %arg4: memref<2x2000x128xf32, #tpu.memory_space<vmem>>, %arg5: memref<2000x1xi32, #tpu.memory_space<vmem>>, %arg6: memref<256x256xf32, #tpu.memory_space<vmem>>, %arg7: memref<1x256xf32, #tpu.memory_space<vmem>>, %arg8: memref<256x256xf32, #tpu.memory_space<vmem>>, %arg9: memref<1x256xf32, #tpu.memory_space<vmem>>, %arg10: memref<256x128xf32, #tpu.memory_space<vmem>>, %arg11: memref<1x128xf32, #tpu.memory_space<vmem>>, %arg12: memref<128x64xf32, #tpu.memory_space<vmem>>, %arg13: memref<1x64xf32, #tpu.memory_space<vmem>>, %arg14: memref<64x3xf32, #tpu.memory_space<vmem>>, %arg15: memref<1x3xf32, #tpu.memory_space<vmem>>, %arg16: memref<64x3xf32, #tpu.memory_space<vmem>>, %arg17: memref<64x256xf32, #tpu.memory_space<vmem>>, %arg18: memref<64x1xf32, #tpu.memory_space<vmem>>) attributes {dimension_semantics = [#tpu.dimension_semantics<arbitrary>], iteration_bounds = array<i64: 5>, scalar_prefetch = 0 : i64, scratch_operands = 2 : i64, tpu.core_type = #tpu.core_type<tc>, window_params = [{transform_indices = @transform_0, window_bounds = array<i64: 2000, 128>}, {transform_indices = @transform_1, window_bounds = array<i64: 2000, 128>}, {transform_indices = @transform_2, window_bounds = array<i64: 2, 2000, 128>}, {transform_indices = @transform_3, window_bounds = array<i64: 2, 2000, 128>}, {transform_indices = @transform_4, window_bounds = array<i64: 2000, 1>}, {pipeline_mode = #tpu.pipeline_mode<synchronous>, transform_indices = @transform_5, window_bounds = array<i64: 256, 256>}, {pipeline_mode = #tpu.pipeline_mode<synchronous>, transform_indices = @transform_6, window_bounds = array<i64: 1, 256>}, {pipeline_mode = #tpu.pipeline_mode<synchronous>, transform_indices = @transform_7, window_bounds = array<i64: 256, 256>}, {pipeline_mode = #tpu.pipeline_mode<synchronous>, transform_indices = @transform_8, window_bounds = array<i64: 1, 256>}, {pipeline_mode = #tpu.pipeline_mode<synchronous>, transform_indices = @transform_9, window_bounds = array<i64: 256, 128>}, {pipeline_mode = #tpu.pipeline_mode<synchronous>, transform_indices = @transform_10, window_bounds = array<i64: 1, 128>}, {pipeline_mode = #tpu.pipeline_mode<synchronous>, transform_indices = @transform_11, window_bounds = array<i64: 128, 64>}, {pipeline_mode = #tpu.pipeline_mode<synchronous>, transform_indices = @transform_12, window_bounds = array<i64: 1, 64>}, {pipeline_mode = #tpu.pipeline_mode<synchronous>, transform_indices = @transform_13, window_bounds = array<i64: 64, 3>}, {pipeline_mode = #tpu.pipeline_mode<synchronous>, transform_indices = @transform_14, window_bounds = array<i64: 1, 3>}, {pipeline_mode = #tpu.pipeline_mode<synchronous>, transform_indices = @transform_15, window_bounds = array<i64: 64, 3>}]} {
    %eq3A = arith.constant 0 : i32
    %eq3A_0 = arith.cmpi eq, %arg0, %eq3A : i32
    %convert_element_type3A = arith.extui %eq3A_0 : i1 to i32
    %cond3A = arith.constant 0 : i32
    %cond3A_1 = arith.cmpi ne, %convert_element_type3A, %cond3A : i32
    scf.if %cond3A_1 {
      %broadcast_in_dim3A_85 = arith.constant 0.000000e+00 : f32
      %broadcast_in_dim3A_86 = vector.broadcast %broadcast_in_dim3A_85 : f32 to vector<64x256xf32>
      %swap3A_87 = arith.constant 0 : index
      %swap3A_88 = arith.constant 0 : index
      %swap3A_89 = vector.load %arg17[%swap3A_87, %swap3A_88] : memref<64x256xf32, #tpu.memory_space<vmem>>, vector<64x256xf32>
      tpu.vector_store %arg17[%swap3A_87, %swap3A_88], %broadcast_in_dim3A_86 {strides = array<i32>} : memref<64x256xf32, #tpu.memory_space<vmem>>, vector<64x256xf32>,
      %broadcast_in_dim3A_90 = arith.constant 0.000000e+00 : f32
      %broadcast_in_dim3A_91 = vector.broadcast %broadcast_in_dim3A_90 : f32 to vector<64x1xf32>
      %swap3A_92 = arith.constant 0 : index
      %swap3A_93 = arith.constant 0 : index
      %swap3A_94 = vector.load %arg18[%swap3A_92, %swap3A_93] : memref<64x1xf32, #tpu.memory_space<vmem>>, vector<64x1xf32>
      tpu.vector_store %arg18[%swap3A_92, %swap3A_93], %broadcast_in_dim3A_91 {strides = array<i32>} : memref<64x1xf32, #tpu.memory_space<vmem>>, vector<64x1xf32>,
    } else {
    }
    %get3A = arith.constant 0 : index
    %get3A_2 = arith.constant 0 : index
    %get3A_3 = vector.load %arg1[%get3A, %get3A_2] : memref<2000x128xf32, #tpu.memory_space<vmem>>, vector<2000x128xf32>
    %get3A_4 = arith.constant 0 : index
    %get3A_5 = arith.constant 0 : index
    %get3A_6 = arith.constant 0 : index
    %get3A_7 = vector.load %arg3[%get3A_4, %get3A_5, %get3A_6] : memref<2x2000x128xf32, #tpu.memory_space<vmem>>, vector<1x2000x128xf32>
    %get3A_8 = vector.shape_cast %get3A_7 : vector<1x2000x128xf32> to vector<2000x128xf32>
    %add3A = arith.addf %get3A_3, %get3A_8 : vector<2000x128xf32>
    %get3A_9 = arith.constant 1 : index
    %get3A_10 = arith.constant 0 : index
    %get3A_11 = arith.constant 0 : index
    %get3A_12 = vector.load %arg3[%get3A_9, %get3A_10, %get3A_11] : memref<2x2000x128xf32, #tpu.memory_space<vmem>>, vector<1x2000x128xf32>
    %get3A_13 = vector.shape_cast %get3A_12 : vector<1x2000x128xf32> to vector<2000x128xf32>
    %add3A_14 = arith.addf %add3A, %get3A_13 : vector<2000x128xf32>
    %get3A_15 = arith.constant 0 : index
    %get3A_16 = arith.constant 0 : index
    %get3A_17 = vector.load %arg2[%get3A_15, %get3A_16] : memref<2000x128xf32, #tpu.memory_space<vmem>>, vector<2000x128xf32>
    %get3A_18 = arith.constant 0 : index
    %get3A_19 = arith.constant 0 : index
    %get3A_20 = arith.constant 0 : index
    %get3A_21 = vector.load %arg4[%get3A_18, %get3A_19, %get3A_20] : memref<2x2000x128xf32, #tpu.memory_space<vmem>>, vector<1x2000x128xf32>
    %get3A_22 = vector.shape_cast %get3A_21 : vector<1x2000x128xf32> to vector<2000x128xf32>
    %add3A_23 = arith.addf %get3A_17, %get3A_22 : vector<2000x128xf32>
    %get3A_24 = arith.constant 1 : index
    %get3A_25 = arith.constant 0 : index
    %get3A_26 = arith.constant 0 : index
    %get3A_27 = vector.load %arg4[%get3A_24, %get3A_25, %get3A_26] : memref<2x2000x128xf32, #tpu.memory_space<vmem>>, vector<1x2000x128xf32>
    %get3A_28 = vector.shape_cast %get3A_27 : vector<1x2000x128xf32> to vector<2000x128xf32>
    %add3A_29 = arith.addf %add3A_23, %get3A_28 : vector<2000x128xf32>
    %concatenate3A = tpu.concatenate %add3A_14, %add3A_29 in 1 : vector<2000x128xf32>, vector<2000x128xf32> -> vector<2000x256xf32>
    %get3A_30 = arith.constant 0 : index
    %get3A_31 = arith.constant 0 : index
    %get3A_32 = vector.load %arg6[%get3A_30, %get3A_31] : memref<256x256xf32, #tpu.memory_space<vmem>>, vector<256x256xf32>
    %dot_general3A = arith.constant dense<0.000000e+00> : vector<2000x256xf32>
    %dot_general3A_33 = tpu.matmul %concatenate3A, %get3A_32, %dot_general3A {dimension_numbers = #tpu.dot_dimension_numbers<[1], [0], [0], [1], [0, 0, 1, 1], [], []>, precision = #tpu.contract_precision<fp32>, transpose_lhs_hint = false} : vector<2000x256xf32>, vector<256x256xf32>, vector<2000x256xf32> -> vector<2000x256xf32>
    %get3A_34 = arith.constant 0 : index
    %get3A_35 = arith.constant 0 : index
    %get3A_36 = vector.load %arg7[%get3A_34, %get3A_35] : memref<1x256xf32, #tpu.memory_space<vmem>>, vector<1x256xf32>
    %add3A_37 = vector.broadcast %get3A_36 : vector<1x256xf32> to vector<2000x256xf32>
    %add3A_38 = arith.addf %dot_general3A_33, %add3A_37 : vector<2000x256xf32>
    %max3A = arith.constant 0.000000e+00 : f32
    %max3A_39 = vector.broadcast %max3A : f32 to vector<2000x256xf32>
    %max3A_40 = arith.maximumf %add3A_38, %max3A_39 : vector<2000x256xf32>
    %get3A_41 = arith.constant 0 : index
    %get3A_42 = arith.constant 0 : index
    %get3A_43 = vector.load %arg8[%get3A_41, %get3A_42] : memref<256x256xf32, #tpu.memory_space<vmem>>, vector<256x256xf32>
    %dot_general3A_44 = arith.constant dense<0.000000e+00> : vector<2000x256xf32>
    %dot_general3A_45 = tpu.matmul %max3A_40, %get3A_43, %dot_general3A_44 {dimension_numbers = #tpu.dot_dimension_numbers<[1], [0], [0], [1], [0, 0, 1, 1], [], []>, precision = #tpu.contract_precision<fp32>, transpose_lhs_hint = false} : vector<2000x256xf32>, vector<256x256xf32>, vector<2000x256xf32> -> vector<2000x256xf32>
    %get3A_46 = arith.constant 0 : index
    %get3A_47 = arith.constant 0 : index
    %get3A_48 = vector.load %arg9[%get3A_46, %get3A_47] : memref<1x256xf32, #tpu.memory_space<vmem>>, vector<1x256xf32>
    %add3A_49 = vector.broadcast %get3A_48 : vector<1x256xf32> to vector<2000x256xf32>
    %add3A_50 = arith.addf %dot_general3A_45, %add3A_49 : vector<2000x256xf32>
    %max3A_51 = arith.constant 0.000000e+00 : f32
    %max3A_52 = vector.broadcast %max3A_51 : f32 to vector<2000x256xf32>
    %max3A_53 = arith.maximumf %add3A_50, %max3A_52 : vector<2000x256xf32>
    %iota3A = tpu.iota {dimensions = array<i32: 1>} : vector<2000x64xi32>
    %get3A_54 = arith.constant 0 : index
    %get3A_55 = arith.constant 0 : index
    %get3A_56 = vector.load %arg5[%get3A_54, %get3A_55] : memref<2000x1xi32, #tpu.memory_space<vmem>>, vector<2000x1xi32>
    %eq3A_57 = vector.broadcast %get3A_56 : vector<2000x1xi32> to vector<2000x64xi32>
    %eq3A_58 = arith.cmpi eq, %eq3A_57, %iota3A : vector<2000x64xi32>
    %jit3A = arith.constant 1.000000e+00 : f32
    %jit3A_59 = arith.constant 0.000000e+00 : f32
    %broadcast_in_dim3A = vector.broadcast %jit3A : f32 to vector<2000x64xf32>
    %broadcast_in_dim3A_60 = vector.broadcast %jit3A_59 : f32 to vector<2000x64xf32>
    %select_n3A = arith.select %eq3A_58, %broadcast_in_dim3A, %broadcast_in_dim3A_60 : vector<2000x64xi1>, vector<2000x64xf32>
    %get3A_61 = arith.constant 0 : index
    %get3A_62 = arith.constant 0 : index
    %get3A_63 = vector.load %arg17[%get3A_61, %get3A_62] : memref<64x256xf32, #tpu.memory_space<vmem>>, vector<64x256xf32>
    %dot_general3A_64 = arith.constant dense<0.000000e+00> : vector<64x256xf32>
    %dot_general3A_65 = tpu.matmul %select_n3A, %max3A_53, %dot_general3A_64 {dimension_numbers = #tpu.dot_dimension_numbers<[0], [0], [1], [1], [0, 1, 1, 1], [], []>, precision = #tpu.contract_precision<fp32>, transpose_lhs_hint = false} : vector<2000x64xf32>, vector<2000x256xf32>, vector<64x256xf32> -> vector<64x256xf32>
    %add3A_66 = arith.addf %get3A_63, %dot_general3A_65 : vector<64x256xf32>
    %swap3A = arith.constant 0 : index
    %swap3A_67 = arith.constant 0 : index
    %swap3A_68 = vector.load %arg17[%swap3A, %swap3A_67] : memref<64x256xf32, #tpu.memory_space<vmem>>, vector<64x256xf32>
    tpu.vector_store %arg17[%swap3A, %swap3A_67], %add3A_66 {strides = array<i32>} : memref<64x256xf32, #tpu.memory_space<vmem>>, vector<64x256xf32>,
    %get3A_69 = arith.constant 0 : index
    %get3A_70 = arith.constant 0 : index
    %get3A_71 = vector.load %arg18[%get3A_69, %get3A_70] : memref<64x1xf32, #tpu.memory_space<vmem>>, vector<64x1xf32>
    %broadcast_in_dim3A_72 = arith.constant 1.000000e+00 : f32
    %broadcast_in_dim3A_73 = vector.broadcast %broadcast_in_dim3A_72 : f32 to vector<2000x1xf32>
    %dot_general3A_74 = arith.constant dense<0.000000e+00> : vector<64x1xf32>
    %dot_general3A_75 = tpu.matmul %select_n3A, %broadcast_in_dim3A_73, %dot_general3A_74 {dimension_numbers = #tpu.dot_dimension_numbers<[0], [0], [1], [1], [0, 1, 1, 1], [], []>, precision = #tpu.contract_precision<fp32>, transpose_lhs_hint = false} : vector<2000x64xf32>, vector<2000x1xf32>, vector<64x1xf32> -> vector<64x1xf32>
    %add3A_76 = arith.addf %get3A_71, %dot_general3A_75 : vector<64x1xf32>
    %swap3A_77 = arith.constant 0 : index
    %swap3A_78 = arith.constant 0 : index
    %swap3A_79 = vector.load %arg18[%swap3A_77, %swap3A_78] : memref<64x1xf32, #tpu.memory_space<vmem>>, vector<64x1xf32>
    tpu.vector_store %arg18[%swap3A_77, %swap3A_78], %add3A_76 {strides = array<i32>} : memref<64x1xf32, #tpu.memory_space<vmem>>, vector<64x1xf32>,
    %eq3A_80 = arith.constant 4 : i32
    %eq3A_81 = arith.cmpi eq, %arg0, %eq3A_80 : i32
    %convert_element_type3A_82 = arith.extui %eq3A_81 : i1 to i32
    %cond3A_83 = arith.constant 0 : i32
    %cond3A_84 = arith.cmpi ne, %convert_element_type3A_82, %cond3A_83 : i32
    scf.if %cond3A_84 {
      %get3A_85 = arith.constant 0 : index
      %get3A_86 = arith.constant 0 : index
      %get3A_87 = vector.load %arg17[%get3A_85, %get3A_86] : memref<64x256xf32, #tpu.memory_space<vmem>>, vector<64x256xf32>
      %get3A_88 = arith.constant 0 : index
      %get3A_89 = arith.constant 0 : index
      %get3A_90 = vector.load %arg18[%get3A_88, %get3A_89] : memref<64x1xf32, #tpu.memory_space<vmem>>, vector<64x1xf32>
      %max3A_91 = arith.constant 1.000000e+00 : f32
      %max3A_92 = vector.broadcast %max3A_91 : f32 to vector<64x1xf32>
      %max3A_93 = arith.maximumf %get3A_90, %max3A_92 : vector<64x1xf32>
      %div3A = vector.broadcast %max3A_93 : vector<64x1xf32> to vector<64x256xf32>
      %div3A_94 = arith.divf %get3A_87, %div3A : vector<64x256xf32>
      %get3A_95 = arith.constant 0 : index
      %get3A_96 = arith.constant 0 : index
      %get3A_97 = vector.load %arg10[%get3A_95, %get3A_96] : memref<256x128xf32, #tpu.memory_space<vmem>>, vector<256x128xf32>
      %dot_general3A_98 = arith.constant dense<0.000000e+00> : vector<64x128xf32>
      %dot_general3A_99 = tpu.matmul %div3A_94, %get3A_97, %dot_general3A_98 {dimension_numbers = #tpu.dot_dimension_numbers<[1], [0], [0], [1], [0, 0, 1, 1], [], []>, precision = #tpu.contract_precision<fp32>, transpose_lhs_hint = false} : vector<64x256xf32>, vector<256x128xf32>, vector<64x128xf32> -> vector<64x128xf32>
      %get3A_100 = arith.constant 0 : index
      %get3A_101 = arith.constant 0 : index
      %get3A_102 = vector.load %arg11[%get3A_100, %get3A_101] : memref<1x128xf32, #tpu.memory_space<vmem>>, vector<1x128xf32>
      %add3A_103 = vector.broadcast %get3A_102 : vector<1x128xf32> to vector<64x128xf32>
      %add3A_104 = arith.addf %dot_general3A_99, %add3A_103 : vector<64x128xf32>
      %max3A_105 = arith.constant 0.000000e+00 : f32
      %max3A_106 = vector.broadcast %max3A_105 : f32 to vector<64x128xf32>
      %max3A_107 = arith.maximumf %add3A_104, %max3A_106 : vector<64x128xf32>
      %get3A_108 = arith.constant 0 : index
      %get3A_109 = arith.constant 0 : index
      %get3A_110 = vector.load %arg12[%get3A_108, %get3A_109] : memref<128x64xf32, #tpu.memory_space<vmem>>, vector<128x64xf32>
      %dot_general3A_111 = arith.constant dense<0.000000e+00> : vector<64x64xf32>
      %dot_general3A_112 = tpu.matmul %max3A_107, %get3A_110, %dot_general3A_111 {dimension_numbers = #tpu.dot_dimension_numbers<[1], [0], [0], [1], [0, 0, 1, 1], [], []>, precision = #tpu.contract_precision<fp32>, transpose_lhs_hint = false} : vector<64x128xf32>, vector<128x64xf32>, vector<64x64xf32> -> vector<64x64xf32>
      %get3A_113 = arith.constant 0 : index
      %get3A_114 = arith.constant 0 : index
      %get3A_115 = vector.load %arg13[%get3A_113, %get3A_114] : memref<1x64xf32, #tpu.memory_space<vmem>>, vector<1x64xf32>
      %add3A_116 = vector.broadcast %get3A_115 : vector<1x64xf32> to vector<64x64xf32>
      %add3A_117 = arith.addf %dot_general3A_112, %add3A_116 : vector<64x64xf32>
      %max3A_118 = arith.constant 0.000000e+00 : f32
      %max3A_119 = vector.broadcast %max3A_118 : f32 to vector<64x64xf32>
      %max3A_120 = arith.maximumf %add3A_117, %max3A_119 : vector<64x64xf32>
      %get3A_121 = arith.constant 0 : index
      %get3A_122 = arith.constant 0 : index
      %get3A_123 = vector.load %arg14[%get3A_121, %get3A_122] : memref<64x3xf32, #tpu.memory_space<vmem>>, vector<64x3xf32>
      %dot_general3A_124 = arith.constant dense<0.000000e+00> : vector<64x3xf32>
      %dot_general3A_125 = tpu.matmul %max3A_120, %get3A_123, %dot_general3A_124 {dimension_numbers = #tpu.dot_dimension_numbers<[1], [0], [0], [1], [0, 0, 1, 1], [], []>, precision = #tpu.contract_precision<fp32>, transpose_lhs_hint = false} : vector<64x64xf32>, vector<64x3xf32>, vector<64x3xf32> -> vector<64x3xf32>
      %get3A_126 = arith.constant 0 : index
      %get3A_127 = arith.constant 0 : index
      %get3A_128 = vector.load %arg15[%get3A_126, %get3A_127] : memref<1x3xf32, #tpu.memory_space<vmem>>, vector<1x3xf32>
      %add3A_129 = vector.broadcast %get3A_128 : vector<1x3xf32> to vector<64x3xf32>
      %add3A_130 = arith.addf %dot_general3A_125, %add3A_129 : vector<64x3xf32>
      %swap3A_131 = arith.constant 0 : index
      %swap3A_132 = arith.constant 0 : index
      %swap3A_133 = vector.load %arg16[%swap3A_131, %swap3A_132] : memref<64x3xf32, #tpu.memory_space<vmem>>, vector<64x3xf32>
      tpu.vector_store %arg16[%swap3A_131, %swap3A_132], %add3A_130 {strides = array<i32>} : memref<64x3xf32, #tpu.memory_space<vmem>>, vector<64x3xf32>,
    } else {
    }
    return
  }
  func.func @transform_0(%arg0: i32) -> (i32, i32) {
    %c0_i32 = arith.constant 0 : i32
    %c0_i32_0 = arith.constant 0 : i32
    return %arg0, %c0_i32 : i32, i32
  }
  func.func @transform_1(%arg0: i32) -> (i32, i32) {
    %c0_i32 = arith.constant 0 : i32
    %c0_i32_0 = arith.constant 0 : i32
    return %arg0, %c0_i32 : i32, i32
  }
  func.func @transform_2(%arg0: i32) -> (i32, i32, i32) {
    %c0_i32 = arith.constant 0 : i32
    %c0_i32_0 = arith.constant 0 : i32
    %c0_i32_1 = arith.constant 0 : i32
    return %c0_i32, %arg0, %c0_i32_0 : i32, i32, i32
  }
  func.func @transform_3(%arg0: i32) -> (i32, i32, i32) {
    %c0_i32 = arith.constant 0 : i32
    %c0_i32_0 = arith.constant 0 : i32
    %c0_i32_1 = arith.constant 0 : i32
    return %c0_i32, %arg0, %c0_i32_0 : i32, i32, i32
  }
  func.func @transform_4(%arg0: i32) -> (i32, i32) {
    %c0_i32 = arith.constant 0 : i32
    %c0_i32_0 = arith.constant 0 : i32
    return %arg0, %c0_i32 : i32, i32
  }
  func.func @transform_5(%arg0: i32) -> (i32, i32) {
    %c0_i32 = arith.constant 0 : i32
    %c0_i32_0 = arith.constant 0 : i32
    %c0_i32_1 = arith.constant 0 : i32
    return %c0_i32, %c0_i32_0 : i32, i32
  }
  func.func @transform_6(%arg0: i32) -> (i32, i32) {
    %c0_i32 = arith.constant 0 : i32
    %c0_i32_0 = arith.constant 0 : i32
    %c0_i32_1 = arith.constant 0 : i32
    return %c0_i32, %c0_i32_0 : i32, i32
  }
  func.func @transform_7(%arg0: i32) -> (i32, i32) {
    %c0_i32 = arith.constant 0 : i32
    %c0_i32_0 = arith.constant 0 : i32
    %c0_i32_1 = arith.constant 0 : i32
    return %c0_i32, %c0_i32_0 : i32, i32
  }
  func.func @transform_8(%arg0: i32) -> (i32, i32) {
    %c0_i32 = arith.constant 0 : i32
    %c0_i32_0 = arith.constant 0 : i32
    %c0_i32_1 = arith.constant 0 : i32
    return %c0_i32, %c0_i32_0 : i32, i32
  }
  func.func @transform_9(%arg0: i32) -> (i32, i32) {
    %c0_i32 = arith.constant 0 : i32
    %c0_i32_0 = arith.constant 0 : i32
    %c0_i32_1 = arith.constant 0 : i32
    return %c0_i32, %c0_i32_0 : i32, i32
  }
  func.func @transform_10(%arg0: i32) -> (i32, i32) {
    %c0_i32 = arith.constant 0 : i32
    %c0_i32_0 = arith.constant 0 : i32
    %c0_i32_1 = arith.constant 0 : i32
    return %c0_i32, %c0_i32_0 : i32, i32
  }
  func.func @transform_11(%arg0: i32) -> (i32, i32) {
    %c0_i32 = arith.constant 0 : i32
    %c0_i32_0 = arith.constant 0 : i32
    %c0_i32_1 = arith.constant 0 : i32
    return %c0_i32, %c0_i32_0 : i32, i32
  }
  func.func @transform_12(%arg0: i32) -> (i32, i32) {
    %c0_i32 = arith.constant 0 : i32
    %c0_i32_0 = arith.constant 0 : i32
    %c0_i32_1 = arith.constant 0 : i32
    return %c0_i32, %c0_i32_0 : i32, i32
  }
  func.func @transform_13(%arg0: i32) -> (i32, i32) {
    %c0_i32 = arith.constant 0 : i32
    %c0_i32_0 = arith.constant 0 : i32
    %c0_i32_1 = arith.constant 0 : i32
    return %c0_i32, %c0_i32_0 : i32, i32
  }
  func.func @transform_14(%arg0: i32) -> (i32, i32) {
    %c0_i32 = arith.constant 0 : i32
    %c0_i32_0 = arith.constant 0 : i32
    %c0_i32_1 = arith.constant 0 : i32
    return %c0_i32, %c0_i32_0 : i32, i32
  }
  func.func @transform_15(%arg0: i32) -> (i32, i32) {
    %c0_i32 = arith.constant 0 : i32
    %c0_i32_0 = arith.constant 0 : i32
    %c0_i32_1 = arith.constant 0 : i32
    return %c0_i32, %c0_i32_0 : i32, i32
  }
}

</mosaic_0001>

<sc_bundles>
// kernel: kernel.11.cloned.1.call-start
scs
__scs_entry_jumppad:
0x0: {  	(pc) =	sbr.rel $0x88, $3  }
0x1: {  	(tag) =	ssettag $0x0;
	lr =	simm.s32 $0x1  }
0x2: {  	[smem:$0x3F83] =	sst lr;
	_ =	strace $0xD0000000  }
0x3: {  	_ = 	snop  }
0x4: {  	_ = 	snop  }
0x5: {  	_ = 	snop  }
0x6: {  	_ = 	snop  }
0x7: {  	_ = 	snop  }
__scs_overlays_trampoline_lowered:
0x8: {  	[smem:$0x3F92] =	sst s0  }
0x9: {  	[smem:$0x3F93] =	sst s1  }
0xa: {  	[smem:$0x3F94] =	sst s2  }
0xb: {  	[smem:$0x3F95] =	sst s3  }
0xc: {  	[smem:$0x3F96] =	sst s4  }
0xd: {  	[smem:$0x3F97] =	sst s5  }
0xe: {  	[smem:$0x3F98] =	sst s6  }
0xf: {  	[smem:$0x3F99] =	sst s7  }
0x10: {  	[smem:$0x3F9A] =	sst s8  }
0x11: {  	[smem:$0x3F9B] =	sst s9;
	s0 =	simm.s32 @!p0 $0x0  }
0x12: {  	s1 =	sld [smem:$0x3F81];
	s0 =	simm.s32 @p0 $0x1  }
0x13: {  	[smem:$0x3F9C] =	sst s0;
	s0 =	simm.s32 @!p1 $0x0  }
0x14: {  	s2 =	sld [smem:$0x3F80];
	s0 =	simm.s32 @p1 $0x1  }
0x15: {  	[smem:$0x3F9D] =	sst s0;
	s0 =	simm.s32 @!p2 $0x0  }
0x16: {  	s3 =	sld [smem:$0x3FDB];
	s0 =	simm.s32 @p2 $0x1  }
0x17: {  	s4 =	simm.s32 $0x1BF5;
	[smem:$0x3F9F] =	sst s0  }
0x18: {  	s0 =	sld [smem:$0x3F82];
	_ =	swait.ge [sflag:s4], $0x0  }
0x19: {  	s7 =	sld [smem:$0x3F83]  }
0x1a: {  	s8 =	sadd.s32 $0xFFFFE003, lr  }
0x1b: {  	s9 =	sadd.s32 $0xFFFFFEF7, lr;
	s5 =	simm.s32 $0xFFFFFFFF;
	p2 =	slt.u32 s8, $0xFFFFF086  }
0x1c: {  	p1 =	slt.u32 s9, $0xF7A;
	s5 =	simm.s32 @!p2 $0x0  }
0x1d: {  	s5 =	simm.s32 @p1 $0x1;
	p0 =	seq.s32 s7, s2  }
0x1e: {  	s7 =	smul.u32 @!p0 $0xF7A, s2;
	p2 =	seq.s32 @!p0 s5, $0x0  }
0x1f: {  	s9 =	smul.u32 $0xF7A, s1;
	s8 =	simm.s32 @!p0 $0x1BF5;
	p2 =	por !p2, p0  }
0x20: {  	[sflag:s8] =	ssyncset.s32 @!p0 $0xFFFFF086;
	s6 =	sadd.s32 @!p0 s3, s7;
	s7 =	simm.s32 @!p0 $0x108  }
0x21: {  	s3 =	sadd.s32 s3, s9;
	s6 =	sadd.s32 @!p0 $0x88, s6;
	s7 =	simm.s32 @p2 $0x1082  }
0x22: {  	[simem:s7], [sflag:s8] =	dma.local @!p0 [hbm:s6], $0xF7A  }
0x23: {  	s9 =	sor.u32 $0xD0000000, s2;
	s6 =	simm.s32 $0x108;
	_ =	swait.ge @!p0 [sflag:s8], $0x0  }
0x24: {  	s3 =	sadd.s32 $0x88, s3;
	s6 =	simm.s32 @!p1 $0x1082;
	[sflag:s4] =	ssyncset.s32 $0xFFFFF086  }
0x25: {  	[simem:s6], [sflag:s4] =	dma.local [hbm:s3], $0xF7A  }
0x26: {  	[smem:$0x3F83] =	sst s1;
	(tag) =	ssettag s2;
	_ =	strace s9  }
0x27: {  	s1 =	sld [smem:$0x3F93]  }
0x28: {  	s2 =	sld [smem:$0x3F94]  }
0x29: {  	s4 =	sld [smem:$0x3F96]  }
0x2a: {  	p0 =	seq.s32 s5, $0x0;
	s5 =	sld [smem:$0x3F97]  }
0x2b: {  	s6 =	sld [smem:$0x3F98]  }
0x2c: {  	s7 =	sld [smem:$0x3F99]  }
0x2d: {  	s3 =	simm.s32 $0x108;
	s8 =	sld [smem:$0x3F9A]  }
0x2e: {  	s3 =	simm.s32 @!p0 $0x1082;
	s9 =	sld [smem:$0x3F9B]  }
0x2f: {  	lr =	sadd.s32 s0, s3;
	s0 =	sld [smem:$0x3F92]  }
0x30: {  	s3 =	sld [smem:$0x3F95]  }
0x31: {  	[smem:$0x3F9E] =	sst s10  }
0x32: {  	s10 =	sld [smem:$0x3F9C];
	_ =	sdelay $0x3  }
0x33: {  	p0 =	seq.s32 s10, $0x1;
	s10 =	sld [smem:$0x3F9E];
	_ =	sdelay $0x3  }
0x34: {  	[smem:$0x3F9E] =	sst s10  }
0x35: {  	s10 =	sld [smem:$0x3F9D];
	_ =	sdelay $0x3  }
0x36: {  	p1 =	seq.s32 s10, $0x1;
	s10 =	sld [smem:$0x3F9E];
	_ =	sdelay $0x3  }
0x37: {  	[smem:$0x3F9E] =	sst s10  }
0x38: {  	s10 =	sld [smem:$0x3F9F]  }
0x39: {  	_ = 	snop;
	(pc) =	sbr.ind lr, $3  }
0x3a: {  	_ = 	snop  }
0x3b: {  	_ = 	snop  }
0x3c: {  	p2 =	seq.s32 s10, $0x1;
	s10 =	sld [smem:$0x3F9E]  }
0x3d: {  	_ =	shalt  }
0x3e: {  	_ =	shalt  }
0x3f: {  	_ =	shalt  }
0x40: {  	_ =	shalt  }
0x41: {  	_ =	shalt  }
0x42: {  	_ =	shalt  }
0x43: {  	_ =	shalt  }
0x44: {  	_ =	shalt  }
0x45: {  	_ =	shalt  }
0x46: {  	_ =	shalt  }
0x47: {  	_ =	shalt  }
0x48: {  	_ =	shalt  }
0x49: {  	_ =	shalt  }
0x4a: {  	_ =	shalt  }
0x4b: {  	_ =	shalt  }
0x4c: {  	_ =	shalt  }
0x4d: {  	_ =	shalt  }
0x4e: {  	_ =	shalt  }
0x4f: {  	_ =	shalt  }
0x50: {  	_ =	shalt  }
0x51: {  	_ =	shalt  }
0x52: {  	_ =	shalt  }
0x53: {  	_ =	shalt  }
0x54: {  	_ =	shalt  }
0x55: {  	_ =	shalt  }
0x56: {  	_ =	shalt  }
0x57: {  	_ =	shalt  }
0x58: {  	_ =	shalt  }
0x59: {  	_ =	shalt  }
0x5a: {  	_ =	shalt  }
0x5b: {  	_ =	shalt  }
0x5c: {  	_ =	shalt  }
0x5d: {  	_ =	shalt  }
0x5e: {  	_ =	shalt  }
0x5f: {  	_ =	shalt  }
0x60: {  	_ =	shalt  }
0x61: {  	_ =	shalt  }
0x62: {  	_ =	shalt  }
0x63: {  	_ =	shalt  }
0x64: {  	_ =	shalt  }
0x65: {  	_ =	shalt  }
0x66: {  	_ =	shalt  }
0x67: {  	_ =	shalt  }
0x68: {  	_ =	shalt  }
0x69: {  	_ =	shalt  }
0x6a: {  	_ =	shalt  }
0x6b: {  	_ =	shalt  }
0x6c: {  	_ =	shalt  }
0x6d: {  	_ =	shalt  }
0x6e: {  	_ =	shalt  }
0x6f: {  	_ =	shalt  }
0x70: {  	_ =	shalt  }
0x71: {  	_ =	shalt  }
0x72: {  	_ =	shalt  }
0x73: {  	_ =	shalt  }
0x74: {  	_ =	shalt  }
0x75: {  	_ =	shalt  }
0x76: {  	_ =	shalt  }
0x77: {  	_ =	shalt  }
0x78: {  	_ =	shalt  }
0x79: {  	_ =	shalt  }
0x7a: {  	_ =	shalt  }
0x7b: {  	_ =	shalt  }
0x7c: {  	_ =	shalt  }
0x7d: {  	_ =	shalt  }
0x7e: {  	_ =	shalt  }
0x7f: {  	_ =	shalt  }
0x80: {  	_ =	shalt  }
0x81: {  	_ =	shalt  }
0x82: {  	_ =	shalt  }
0x83: {  	_ =	shalt  }
0x84: {  	_ =	shalt  }
0x85: {  	_ =	shalt  }
0x86: {  	_ =	shalt  }
0x87: {  	_ =	shalt  }
.Lfunc_end0:
.L_simem_size_0:
called_computation.1_lowered:
.L_overlay_start_0:
0x88: {  	s2 =	sld [smem:$0x3FD9]  }
0x89: {  	s3 =	sld [smem:$0x3FFE];
	_ =	sdelay $0x1  }
0x8a: {  	s1 =	srdreg.scid  }
0x8b: {  	s0 =	sand.u32 $0x1, s1  }
0x8c: {  	s16 =	sshll.u32 s0, $0xA;
	s2 =	sadd.s32 s3, s2  }
0x8d: {  	s2 =	sadd.s32 s2, s16  }
0x8e: {  	[smem:$0x3FAA] =	sst s2  }
0x8f: {  	_ = 	snop  }
0x90: {  	(tm) =	ssettm $0x1  }
0x91: {  	s17 =	sld [smem:$0x3FFB];
	_ =	sdelay $0x3  }
0x92: {  	_ =	strace s17  }
0x93: {  	s2 =	sld [smem:$0x3FFC];
	_ =	sdelay $0x3  }
0x94: {  	_ =	strace s2  }
0x95: {  	s2 =	sld [smem:$0x3FFD];
	_ =	sdelay $0x3  }
0x96: {  	_ =	strace s2  }
0x97: {  	_ =	strace $0x8FFFFFFF  }
0x98: {  	s18 =	sld [smem:$0x3FDB];
	_ =	sdelay $0x1  }
0x99: {  	s19 =	simm.s32 $_scs_section_size  }
0x9a: {  	s4 =	simm.s32 $_size__tile_overlayer_lowered;
	s5 =	simm.s32 $_tile_overlayer_lowered  }
0x9b: {  	s22 =	simm.s32 $0x1BFF;
	s21 =	sshll.u32 s5, $0x1;
	s2 =	sadd.s32 s19, s18  }
0x9c: {  	s6 =	simm.s32 $0x0;
	s20 =	sshll.u32 s4, $0x1;
	s4 =	sadd.s32 s21, s2  }
0x9d: {  	[timem:s6], [sflag:s22] =	dma.local [hbm:s4], s20  }
0x9e: {  	_ =	swait.ge [sflag:s22], s20  }
0x9f: {  	s3 =	ssub.s32 $0x0, s20;
	[sflag:s22] =	ssyncset.done $0x0  }
0xa0: {  	[sflag:s22] =	ssyncadd.s32 s3;
	_ =	sdelay $0x1  }
0xa1: {  	s23 =	simm.s32 $0x1B8B  }
0xa2: {  	_ =	swait.ge [sflag:s23], $0x1  }
0xa3: {  	[sflag:s23] =	ssyncset.done $0x0  }
0xa4: {  	s25 =	simm.s32 $0x1B8E;
	s24 =	sld [smem:$0x3FFE];
	[sflag:s23] =	ssyncadd.s32 $0xFFFFFFFF  }
0xa5: {  	s26 =	simm.s32 $execute0_lowered;
	[smem:$0x3FD2] =	sst s25  }
0xa6: {  	s4 =	sshll.u32 s26, $0x1;
	_ =	strace $0x80000049;
	[dreg:$0x1] =	wrdreg $0xFFFFFFFF  }
0xa7: {  	s28 =	simm.s32 $_size_execute0_lowered;
	s2 =	sadd.s32 s2, s4;
	[dreg:$0x0] =	wrdreg $0x0  }
0xa8: {  	s4 =	sshll.u32 s28, $0x1;
	[dreg:$0x2] =	wrdreg s2  }
0xa9: {  	[dreg:$0x3] =	wrdreg s4  }
0xaa: {  	[dreg:$0x4] =	wrdreg $0xC0  }
0xab: {  	_ =	task [dreg:s6], $0x5FFFF  }
0xac: {  	[dreg:$0x1] =	wrdreg $0xFFFFFFFF  }
0xad: {  	[dreg:$0x0] =	wrdreg $0x60  }
0xae: {  	[dreg:$0x2] =	wrdreg s24  }
0xaf: {  	[dreg:$0x3] =	wrdreg $0x28800  }
0xb0: {  	[dreg:$0x4] =	wrdreg $0x9  }
0xb1: {  	_ =	task.clear_ibuf [dreg:s6], $0x5FFFF;
	_ =	strace $0x90000049  }
0xb2: {  	s29 =	simm.s32 $0x9;
	_ =	strace $0x8000004B  }
0xb3: {  	_ =	swait.ge [sflag:s29], $0x1  }
0xb4: {  	[sflag:s29] =	ssyncadd.s32 $0xFFFFFFFF  }
0xb5: {  	_ =	strace $0x9000004B  }
0xb6: {  	_ =	sfence  }
0xb7: {  	s30 =	sld [smem:$0x0];
	_ =	sdelay $0x2  }
0xb8: {  	s31 =	sshll.u32 s1, $0xD;
	s1 =	sshrl.u32 s1, $0x2  }
0xb9: {  	s3 =	sand.u32 $0x4000, s31;
	s1 =	sadd.s32 s1, s30  }
0xba: {  	s0 =	sor.u32 s3, s0;
	s1 =	sshll.u32 s1, $0x11  }
0xbb: {  	s0 =	sor.u32 s1, s0  }
0xbc: {  	s0 =	sadd.s32 $0x8F2B, s0  }
0xbd: {  	[sflag:s0] =	ssyncadd.remote.s32 $0x1  }
0xbe: {  	_ =	sfence.sel $0xFFFF  }
0xbf: {  	[dreg:$0x0] =	wrdreg $0xFFFFFFFF;
	(pc) =	sbr.abs _section_cstart, $3  }
0xc0: {  	[dreg:$0x1] =	wrdreg $0xFFFFFFFF  }
0xc1: {  	_ =	task.clear_ibuf [dreg:s6], $0x2FFFF;
	_ =	strace $0x9FFFFFFF  }
0xc2: {  	(tm) =	ssettm $0x7FFFFFFF  }
0xc3: {  	_ =	shalt  }
tec
execute0_lowered:
.L_overlay_start_1:
0x0: {  	(tag) =	ssettag $0x1  }
0x1: {  	s0 =	stileid.u32  }
0x2: {  	s1 =	srdreg.scid;
	s5 =	rddreg [dreg:$0x0]  }
0x3: {  	s2 =	rddreg [dreg:$0x1];
	s4 =	smul.u32 $0x4E200, s0  }
0x4: {  	s3 =	simm.s32 $0x0;
	s13 =	simm.s32 $0x1;
	s7 =	smul.u32 $0x4E20, s0  }
0x5: {  	s14 =	simm.s32 $0x50;
	s15 =	simm.s32 $0x0;
	s9 =	smul.u32 $0x14000, s0  }
0x6: {  	s6 =	sand.u32 $0x1, s1;
	s1 =	rddreg [dreg:$0x2];
	s26 =	smul.u32 $0x50000, s0  }
0x7: {  	[smem:$0x7FF] =	sst s3;
	s31 =	sshll.u32 s0, $0x6;
	s8 =	smul.u32 $0x2710, s6  }
0x8: {  	s21 =	smul.u32 $0x140000, s6;
	_ =	strace $0x8000004A;
	s25 =	ssub.s32 $0x2, s6  }
0x9: {  	s30 =	smul.u32 $0x27100, s6;
	s10 =	sadd.s32 s4, s5;
	s23 =	sshrl.u32 s9, $0x3  }
0xa: {  	s28 =	sshrl.u32 s25, $0x1;
	s29 =	sshrl.u32 s26, $0x2;
	s7 =	sadd.s32 s8, s7  }
0xb: {  	s24 =	sadd.s32 s9, s21;
	s4 =	sadd.s32 s23, s5;
	s8 =	ssub.s32 s25, s28  }
0xc: {  	s12 =	sadd.s32 s29, s2;
	s9 =	sadd.s32 s30, s10;
	s22 =	sshrl.u32 s7, $0x3  }
0xd: {  	s7 =	sshrl.u32 s24, $0x3;
	s4 =	sadd.s32 $0xDC00, s4;
	s10 =	sshrl.u32 s12, $0x3  }
0xe: {  	s12 =	simm.s32 $0x80;
	s11 =	sadd.s32 s22, s5;
	s7 =	sadd.s32 s7, s5  }
0xf: {  	s5 =	sor.u32 $0x1C02, s31;
	s6 =	sadd.s32 $0x84000, s7;
	s7 =	smax.u32 s8, $0x1  }
0x10: {  	s8 =	sadd.s32 $0x4F9A00, s9;
	s9 =	sadd.s32 $0x3E00, s11;
	s11 =	simm.s32 $0x2  }
.LBB2_1:
0x11: {  	[spmem:s10], [sflag:s5] =	dma.local [hbm:s4], $0x2800  }
0x12: {  	_ =	swait.ge [sflag:s11], $0x2800  }
0x13: {  	[sflag:s11] =	ssyncset.done $0x0  }
0x14: {  	[sflag:s11] =	ssyncadd.s32 $0xFFFFD800  }
0x15: {  	s16 =	sadd.s32 $0x0, s9;
	[bflag:$0x0] =	sbarrier.arrive $0xFFFF  }
0x16: {  	[tilespmem:s3], [sflag:$0x2] =	stream.linear.gather [hbm4b:s16+s3], $0x50, $0x38;
	[tilespmem:$0x16880] =	vst v63  }
0x17: {  	_ =	swait.ge [sflag:s11], $0x50  }
0x18: {  	[sflag:s11] =	ssyncset.done $0x0  }
0x19: {  	[sflag:s11] =	ssyncadd.s32 $0xFFFFFFB0  }
0x1a: {  	[tilespmem:s12], [sflag:$0x1] =	stream.linear.gather [hbm4b:s8+s3], $0x2800, $0x38;
	[tilespmem:$0x16880] =	vst v63  }
0x1b: {  	_ =	swait.ge [sflag:s13], $0x2800  }
0x1c: {  	[sflag:s13] =	ssyncset.done $0x0  }
0x1d: {  	[sflag:s13] =	ssyncadd.s32 $0xFFFFD800  }
0x1e: {  	[spmem:s2] =	stream.indirect.scatter.add.f32 [tilespmem:s12], [sflag:$0x2], $0x80, s3, s14, $0xb8;
	[tilespmem:$0x16880] =	vst v63  }
0x1f: {  	s17 =	simm.s32 $0xA;
	_ =	swait.ge [sflag:s11], $0x2800  }
0x20: {  	s18 =	simm.s32 $0x14;
	s16 =	sadd.s32 $0x500, s8;
	[sflag:s11] =	ssyncset.done $0x0  }
.LBB2_2:
0x21: {  	s19 =	sadd.s32 s17, s9  }
0x22: {  	[sflag:s11] =	ssyncadd.s32 $0xFFFFD800;
	s17 =	smov.u32 s18;
	s20 =	sadd.s32 $0xA, s18  }
0x23: {  	[tilespmem:s3], [sflag:$0x2] =	stream.linear.gather [hbm4b:s19+s3], $0x50, $0x38;
	[tilespmem:$0x16880] =	vst v63  }
0x24: {  	p0 =	sne.s32 s18, $0x4D8;
	_ =	swait.ge [sflag:s11], $0x50  }
0x25: {  	[sflag:s11] =	ssyncset.done $0x0  }
0x26: {  	[sflag:s11] =	ssyncadd.s32 $0xFFFFFFB0  }
0x27: {  	[tilespmem:s12], [sflag:$0x1] =	stream.linear.gather [hbm4b:s16+s3], $0x2800, $0x38;
	[tilespmem:$0x16880] =	vst v63  }
0x28: {  	_ =	swait.ge [sflag:s13], $0x2800  }
.Ltmp0:
0x29: {  	[sflag:s13] =	ssyncset.done $0x0;
	(pc) =	sbr.rel @p0 .LBB2_2-.Ltmp0, $4  }
0x2a: {  	[sflag:s13] =	ssyncadd.s32 $0xFFFFD800  }
0x2b: {  	[spmem:s2] =	stream.indirect.scatter.add.f32 [tilespmem:s12], [sflag:$0x2], $0x80, s3, s14, $0xb8;
	[tilespmem:$0x16880] =	vst v63  }
0x2c: {  	_ =	swait.ge [sflag:s11], $0x2800  }
0x2d: {  	s18 =	smov.u32 s20;
	s16 =	sadd.s32 $0x500, s16;
	[sflag:s11] =	ssyncset.done $0x0  }
0x2e: {  	s17 =	sadd.s32 s17, s9;
	[sflag:s11] =	ssyncadd.s32 $0xFFFFD800  }
0x2f: {  	[tilespmem:s3], [sflag:$0x2] =	stream.linear.gather [hbm4b:s17+s3], $0x50, $0x38;
	[tilespmem:$0x16880] =	vst v63  }
0x30: {  	_ =	swait.ge [sflag:s11], $0x50  }
0x31: {  	[sflag:s11] =	ssyncset.done $0x0  }
0x32: {  	[sflag:s11] =	ssyncadd.s32 $0xFFFFFFB0  }
0x33: {  	[tilespmem:s12], [sflag:$0x1] =	stream.linear.gather [hbm4b:s16+s3], $0x2800, $0x38;
	[tilespmem:$0x16880] =	vst v63  }
0x34: {  	_ =	swait.ge [sflag:s13], $0x2800  }
0x35: {  	[sflag:s13] =	ssyncset.done $0x0  }
0x36: {  	[sflag:s13] =	ssyncadd.s32 $0xFFFFD800  }
0x37: {  	[spmem:s2] =	stream.indirect.scatter.add.f32 [tilespmem:s12], [sflag:$0x2], $0x80, s3, s14, $0xb8;
	[tilespmem:$0x16880] =	vst v63  }
0x38: {  	_ =	swait.ge [sflag:s11], $0x2800  }
0x39: {  	s15 =	sadd.s32 $0x1, s15;
	[sflag:s11] =	ssyncset.done $0x0  }
0x3a: {  	p0 =	sne.s32 s15, s7;
	[sflag:s11] =	ssyncadd.s32 $0xFFFFD800  }
.Ltmp1:
0x3b: {  	[bflag:$0x0] =	sbarrier.arrive $0xFFFF;
	(pc) =	sbr.rel @p0 .LBB2_1-.Ltmp1, $4  }
0x3c: {  	[hbm:s6], [sflag:s5] =	dma.local [spmem:s10], $0x2800  }
0x3d: {  	_ =	swait.ge [sflag:s11], $0x2800  }
0x3e: {  	[sflag:s11] =	ssyncset.done $0x0  }
0x3f: {  	[sflag:s11] =	ssyncadd.s32 $0xFFFFD800  }
0x40: {  	_ =	sfence.sel $0x180000  }
0x41: {  	[bflag:$0x0] =	sbarrier.arrive $0xFFFF  }
0x42: {  	p0 =	sne.s32 s0, $0x0;
	_ =	strace $0x9000004A  }
0x43: {  	s0 =	sadd.s32 @!p0 $0x100000, s1;
	[bflag:$0x2] =	sbarrier.arrive $0xFFFF  }
0x44: {  	[sflag:s0] =	ssyncadd.tile.s32 @!p0 $0x1;
	_ =	shalt  }
.Lfunc_end2:
_tile_overlayer_lowered:
.L_overlay_start_2:
0x45: {  	(tag) =	ssettag $0x2  }
0x46: {  	s0 =	rddreg [dreg:$0x0];
	s2 =	stileid.u32  }
0x47: {  	s1 =	rddreg [dreg:$0x1];
	p0 =	sne.s32 s2, $0x0  }
0x48: {  	s3 =	rddreg [dreg:$0x2];
	[bflag:$0x3] =	sbarrier.arrive $0xFFFF;
	s2 =	simm.s32 @!p0 $0x1C02  }
0x49: {  	[timem:s3], [sflag:s2] =	dma.local @!p0 [hbm:s0], s1  }
0x4a: {  	s0 =	simm.s32 @!p0 $0x2  }
0x4b: {  	_ =	swait.ge @!p0 [sflag:s0], s1  }
0x4c: {  	s1 =	ssub.s32 @!p0 $0x0, s1;
	[sflag:s0] =	ssyncset.done @!p0 $0x0  }
0x4d: {  	[sflag:s0] =	ssyncadd.s32 @!p0 s1  }
0x4e: {  	[bflag:$0x3] =	sbarrier.arrive $0xFFFF  }
0x4f: {  	_ =	shalt  }

// kernel: kernel.14.cloned.1.call-start
scs
__scs_entry_jumppad:
0x0: {  	(pc) =	sbr.rel $0x88, $3  }
0x1: {  	(tag) =	ssettag $0x0;
	lr =	simm.s32 $0x1  }
0x2: {  	[smem:$0x3F83] =	sst lr;
	_ =	strace $0xD0000000  }
0x3: {  	_ = 	snop  }
0x4: {  	_ = 	snop  }
0x5: {  	_ = 	snop  }
0x6: {  	_ = 	snop  }
0x7: {  	_ = 	snop  }
__scs_overlays_trampoline_lowered:
0x8: {  	[smem:$0x3F92] =	sst s0  }
0x9: {  	[smem:$0x3F93] =	sst s1  }
0xa: {  	[smem:$0x3F94] =	sst s2  }
0xb: {  	[smem:$0x3F95] =	sst s3  }
0xc: {  	[smem:$0x3F96] =	sst s4  }
0xd: {  	[smem:$0x3F97] =	sst s5  }
0xe: {  	[smem:$0x3F98] =	sst s6  }
0xf: {  	[smem:$0x3F99] =	sst s7  }
0x10: {  	[smem:$0x3F9A] =	sst s8  }
0x11: {  	[smem:$0x3F9B] =	sst s9;
	s0 =	simm.s32 @!p0 $0x0  }
0x12: {  	s1 =	sld [smem:$0x3F81];
	s0 =	simm.s32 @p0 $0x1  }
0x13: {  	[smem:$0x3F9C] =	sst s0;
	s0 =	simm.s32 @!p1 $0x0  }
0x14: {  	s2 =	sld [smem:$0x3F80];
	s0 =	simm.s32 @p1 $0x1  }
0x15: {  	[smem:$0x3F9D] =	sst s0;
	s0 =	simm.s32 @!p2 $0x0  }
0x16: {  	s3 =	sld [smem:$0x3FDB];
	s0 =	simm.s32 @p2 $0x1  }
0x17: {  	s4 =	simm.s32 $0x1BF5;
	[smem:$0x3F9F] =	sst s0  }
0x18: {  	s0 =	sld [smem:$0x3F82];
	_ =	swait.ge [sflag:s4], $0x0  }
0x19: {  	s7 =	sld [smem:$0x3F83]  }
0x1a: {  	s8 =	sadd.s32 $0xFFFFE003, lr  }
0x1b: {  	s9 =	sadd.s32 $0xFFFFFEF7, lr;
	s5 =	simm.s32 $0xFFFFFFFF;
	p2 =	slt.u32 s8, $0xFFFFF086  }
0x1c: {  	p1 =	slt.u32 s9, $0xF7A;
	s5 =	simm.s32 @!p2 $0x0  }
0x1d: {  	s5 =	simm.s32 @p1 $0x1;
	p0 =	seq.s32 s7, s2  }
0x1e: {  	s7 =	smul.u32 @!p0 $0xF7A, s2;
	p2 =	seq.s32 @!p0 s5, $0x0  }
0x1f: {  	s9 =	smul.u32 $0xF7A, s1;
	s8 =	simm.s32 @!p0 $0x1BF5;
	p2 =	por !p2, p0  }
0x20: {  	[sflag:s8] =	ssyncset.s32 @!p0 $0xFFFFF086;
	s6 =	sadd.s32 @!p0 s3, s7;
	s7 =	simm.s32 @!p0 $0x108  }
0x21: {  	s3 =	sadd.s32 s3, s9;
	s6 =	sadd.s32 @!p0 $0x88, s6;
	s7 =	simm.s32 @p2 $0x1082  }
0x22: {  	[simem:s7], [sflag:s8] =	dma.local @!p0 [hbm:s6], $0xF7A  }
0x23: {  	s9 =	sor.u32 $0xD0000000, s2;
	s6 =	simm.s32 $0x108;
	_ =	swait.ge @!p0 [sflag:s8], $0x0  }
0x24: {  	s3 =	sadd.s32 $0x88, s3;
	s6 =	simm.s32 @!p1 $0x1082;
	[sflag:s4] =	ssyncset.s32 $0xFFFFF086  }
0x25: {  	[simem:s6], [sflag:s4] =	dma.local [hbm:s3], $0xF7A  }
0x26: {  	[smem:$0x3F83] =	sst s1;
	(tag) =	ssettag s2;
	_ =	strace s9  }
0x27: {  	s1 =	sld [smem:$0x3F93]  }
0x28: {  	s2 =	sld [smem:$0x3F94]  }
0x29: {  	s4 =	sld [smem:$0x3F96]  }
0x2a: {  	p0 =	seq.s32 s5, $0x0;
	s5 =	sld [smem:$0x3F97]  }
0x2b: {  	s6 =	sld [smem:$0x3F98]  }
0x2c: {  	s7 =	sld [smem:$0x3F99]  }
0x2d: {  	s3 =	simm.s32 $0x108;
	s8 =	sld [smem:$0x3F9A]  }
0x2e: {  	s3 =	simm.s32 @!p0 $0x1082;
	s9 =	sld [smem:$0x3F9B]  }
0x2f: {  	lr =	sadd.s32 s0, s3;
	s0 =	sld [smem:$0x3F92]  }
0x30: {  	s3 =	sld [smem:$0x3F95]  }
0x31: {  	[smem:$0x3F9E] =	sst s10  }
0x32: {  	s10 =	sld [smem:$0x3F9C];
	_ =	sdelay $0x3  }
0x33: {  	p0 =	seq.s32 s10, $0x1;
	s10 =	sld [smem:$0x3F9E];
	_ =	sdelay $0x3  }
0x34: {  	[smem:$0x3F9E] =	sst s10  }
0x35: {  	s10 =	sld [smem:$0x3F9D];
	_ =	sdelay $0x3  }
0x36: {  	p1 =	seq.s32 s10, $0x1;
	s10 =	sld [smem:$0x3F9E];
	_ =	sdelay $0x3  }
0x37: {  	[smem:$0x3F9E] =	sst s10  }
0x38: {  	s10 =	sld [smem:$0x3F9F]  }
0x39: {  	_ = 	snop;
	(pc) =	sbr.ind lr, $3  }
0x3a: {  	_ = 	snop  }
0x3b: {  	_ = 	snop  }
0x3c: {  	p2 =	seq.s32 s10, $0x1;
	s10 =	sld [smem:$0x3F9E]  }
0x3d: {  	_ =	shalt  }
0x3e: {  	_ =	shalt  }
0x3f: {  	_ =	shalt  }
0x40: {  	_ =	shalt  }
0x41: {  	_ =	shalt  }
0x42: {  	_ =	shalt  }
0x43: {  	_ =	shalt  }
0x44: {  	_ =	shalt  }
0x45: {  	_ =	shalt  }
0x46: {  	_ =	shalt  }
0x47: {  	_ =	shalt  }
0x48: {  	_ =	shalt  }
0x49: {  	_ =	shalt  }
0x4a: {  	_ =	shalt  }
0x4b: {  	_ =	shalt  }
0x4c: {  	_ =	shalt  }
0x4d: {  	_ =	shalt  }
0x4e: {  	_ =	shalt  }
0x4f: {  	_ =	shalt  }
0x50: {  	_ =	shalt  }
0x51: {  	_ =	shalt  }
0x52: {  	_ =	shalt  }
0x53: {  	_ =	shalt  }
0x54: {  	_ =	shalt  }
0x55: {  	_ =	shalt  }
0x56: {  	_ =	shalt  }
0x57: {  	_ =	shalt  }
0x58: {  	_ =	shalt  }
0x59: {  	_ =	shalt  }
0x5a: {  	_ =	shalt  }
0x5b: {  	_ =	shalt  }
0x5c: {  	_ =	shalt  }
0x5d: {  	_ =	shalt  }
0x5e: {  	_ =	shalt  }
0x5f: {  	_ =	shalt  }
0x60: {  	_ =	shalt  }
0x61: {  	_ =	shalt  }
0x62: {  	_ =	shalt  }
0x63: {  	_ =	shalt  }
0x64: {  	_ =	shalt  }
0x65: {  	_ =	shalt  }
0x66: {  	_ =	shalt  }
0x67: {  	_ =	shalt  }
0x68: {  	_ =	shalt  }
0x69: {  	_ =	shalt  }
0x6a: {  	_ =	shalt  }
0x6b: {  	_ =	shalt  }
0x6c: {  	_ =	shalt  }
0x6d: {  	_ =	shalt  }
0x6e: {  	_ =	shalt  }
0x6f: {  	_ =	shalt  }
0x70: {  	_ =	shalt  }
0x71: {  	_ =	shalt  }
0x72: {  	_ =	shalt  }
0x73: {  	_ =	shalt  }
0x74: {  	_ =	shalt  }
0x75: {  	_ =	shalt  }
0x76: {  	_ =	shalt  }
0x77: {  	_ =	shalt  }
0x78: {  	_ =	shalt  }
0x79: {  	_ =	shalt  }
0x7a: {  	_ =	shalt  }
0x7b: {  	_ =	shalt  }
0x7c: {  	_ =	shalt  }
0x7d: {  	_ =	shalt  }
0x7e: {  	_ =	shalt  }
0x7f: {  	_ =	shalt  }
0x80: {  	_ =	shalt  }
0x81: {  	_ =	shalt  }
0x82: {  	_ =	shalt  }
0x83: {  	_ =	shalt  }
0x84: {  	_ =	shalt  }
0x85: {  	_ =	shalt  }
0x86: {  	_ =	shalt  }
0x87: {  	_ =	shalt  }
.Lfunc_end0:
.L_simem_size_0:
called_computation.2_lowered:
.L_overlay_start_0:
0x88: {  	s2 =	sld [smem:$0x3FD9]  }
0x89: {  	s3 =	sld [smem:$0x3FFE];
	_ =	sdelay $0x1  }
0x8a: {  	s1 =	srdreg.scid  }
0x8b: {  	s0 =	sand.u32 $0x1, s1  }
0x8c: {  	s16 =	sshll.u32 s0, $0xA;
	s2 =	sadd.s32 s3, s2  }
0x8d: {  	s2 =	sadd.s32 s2, s16  }
0x8e: {  	[smem:$0x3FAA] =	sst s2  }
0x8f: {  	_ = 	snop  }
0x90: {  	(tm) =	ssettm $0x1  }
0x91: {  	s17 =	sld [smem:$0x3FFB];
	_ =	sdelay $0x3  }
0x92: {  	_ =	strace s17  }
0x93: {  	s2 =	sld [smem:$0x3FFC];
	_ =	sdelay $0x3  }
0x94: {  	_ =	strace s2  }
0x95: {  	s2 =	sld [smem:$0x3FFD];
	_ =	sdelay $0x3  }
0x96: {  	_ =	strace s2  }
0x97: {  	_ =	strace $0x8FFFFFFF  }
0x98: {  	s18 =	sld [smem:$0x3FDB];
	_ =	sdelay $0x1  }
0x99: {  	s19 =	simm.s32 $_scs_section_size  }
0x9a: {  	s4 =	simm.s32 $_size__tile_overlayer_lowered;
	s5 =	simm.s32 $_tile_overlayer_lowered  }
0x9b: {  	s22 =	simm.s32 $0x1BFF;
	s21 =	sshll.u32 s5, $0x1;
	s2 =	sadd.s32 s19, s18  }
0x9c: {  	s6 =	simm.s32 $0x0;
	s20 =	sshll.u32 s4, $0x1;
	s4 =	sadd.s32 s21, s2  }
0x9d: {  	[timem:s6], [sflag:s22] =	dma.local [hbm:s4], s20  }
0x9e: {  	_ =	swait.ge [sflag:s22], s20  }
0x9f: {  	s3 =	ssub.s32 $0x0, s20;
	[sflag:s22] =	ssyncset.done $0x0  }
0xa0: {  	[sflag:s22] =	ssyncadd.s32 s3;
	_ =	sdelay $0x1  }
0xa1: {  	s23 =	simm.s32 $0x1B8B  }
0xa2: {  	_ =	swait.ge [sflag:s23], $0x1  }
0xa3: {  	[sflag:s23] =	ssyncset.done $0x0  }
0xa4: {  	s25 =	simm.s32 $0x1B8E;
	s24 =	sld [smem:$0x3FFE];
	[sflag:s23] =	ssyncadd.s32 $0xFFFFFFFF  }
0xa5: {  	s26 =	simm.s32 $execute0_lowered;
	[smem:$0x3FD2] =	sst s25  }
0xa6: {  	s4 =	sshll.u32 s26, $0x1;
	_ =	strace $0x8000004C;
	[dreg:$0x1] =	wrdreg $0xFFFFFFFF  }
0xa7: {  	s28 =	simm.s32 $_size_execute0_lowered;
	s2 =	sadd.s32 s2, s4;
	[dreg:$0x0] =	wrdreg $0x0  }
0xa8: {  	s4 =	sshll.u32 s28, $0x1;
	[dreg:$0x2] =	wrdreg s2  }
0xa9: {  	[dreg:$0x3] =	wrdreg s4  }
0xaa: {  	[dreg:$0x4] =	wrdreg $0xC0  }
0xab: {  	_ =	task [dreg:s6], $0x5FFFF  }
0xac: {  	[dreg:$0x1] =	wrdreg $0xFFFFFFFF  }
0xad: {  	[dreg:$0x0] =	wrdreg $0x60  }
0xae: {  	[dreg:$0x2] =	wrdreg s24  }
0xaf: {  	[dreg:$0x3] =	wrdreg $0x28800  }
0xb0: {  	[dreg:$0x4] =	wrdreg $0x9  }
0xb1: {  	_ =	task.clear_ibuf [dreg:s6], $0x5FFFF;
	_ =	strace $0x9000004C  }
0xb2: {  	s29 =	simm.s32 $0x9;
	_ =	strace $0x8000004E  }
0xb3: {  	_ =	swait.ge [sflag:s29], $0x1  }
0xb4: {  	[sflag:s29] =	ssyncadd.s32 $0xFFFFFFFF  }
0xb5: {  	_ =	strace $0x9000004E  }
0xb6: {  	_ =	sfence  }
0xb7: {  	s30 =	sld [smem:$0x0];
	_ =	sdelay $0x2  }
0xb8: {  	s31 =	sshll.u32 s1, $0xD;
	s1 =	sshrl.u32 s1, $0x2  }
0xb9: {  	s3 =	sand.u32 $0x4000, s31;
	s1 =	sadd.s32 s1, s30  }
0xba: {  	s0 =	sor.u32 s3, s0;
	s1 =	sshll.u32 s1, $0x11  }
0xbb: {  	s0 =	sor.u32 s1, s0  }
0xbc: {  	s0 =	sadd.s32 $0x8F2B, s0  }
0xbd: {  	[sflag:s0] =	ssyncadd.remote.s32 $0x1  }
0xbe: {  	_ =	sfence.sel $0xFFFF  }
0xbf: {  	[dreg:$0x0] =	wrdreg $0xFFFFFFFF;
	(pc) =	sbr.abs _section_cstart, $3  }
0xc0: {  	[dreg:$0x1] =	wrdreg $0xFFFFFFFF  }
0xc1: {  	_ =	task.clear_ibuf [dreg:s6], $0x2FFFF;
	_ =	strace $0x9FFFFFFF  }
0xc2: {  	(tm) =	ssettm $0x7FFFFFFF  }
0xc3: {  	_ =	shalt  }
tec
execute0_lowered:
.L_overlay_start_1:
0x0: {  	(tag) =	ssettag $0x1  }
0x1: {  	s0 =	stileid.u32  }
0x2: {  	s1 =	srdreg.scid;
	s5 =	rddreg [dreg:$0x0]  }
0x3: {  	s2 =	rddreg [dreg:$0x1];
	s4 =	smul.u32 $0x4E200, s0  }
0x4: {  	s3 =	simm.s32 $0x0;
	s13 =	simm.s32 $0x1;
	s7 =	smul.u32 $0x4E20, s0  }
0x5: {  	s14 =	simm.s32 $0x50;
	s15 =	simm.s32 $0x0;
	s9 =	smul.u32 $0x14000, s0  }
0x6: {  	s6 =	sand.u32 $0x1, s1;
	s1 =	rddreg [dreg:$0x2];
	s26 =	smul.u32 $0x50000, s0  }
0x7: {  	[smem:$0x7FF] =	sst s3;
	s31 =	sshll.u32 s0, $0x6;
	s8 =	smul.u32 $0x2710, s6  }
0x8: {  	s21 =	smul.u32 $0x140000, s6;
	_ =	strace $0x8000004D;
	s25 =	ssub.s32 $0x2, s6  }
0x9: {  	s30 =	smul.u32 $0x27100, s6;
	s10 =	sadd.s32 s4, s5;
	s23 =	sshrl.u32 s9, $0x3  }
0xa: {  	s28 =	sshrl.u32 s25, $0x1;
	s29 =	sshrl.u32 s26, $0x2;
	s7 =	sadd.s32 s8, s7  }
0xb: {  	s24 =	sadd.s32 s9, s21;
	s4 =	sadd.s32 s23, s5;
	s8 =	ssub.s32 s25, s28  }
0xc: {  	s12 =	sadd.s32 s29, s2;
	s9 =	sadd.s32 s30, s10;
	s22 =	sshrl.u32 s7, $0x3  }
0xd: {  	s7 =	sshrl.u32 s24, $0x3;
	s4 =	sadd.s32 $0xDC00, s4;
	s10 =	sshrl.u32 s12, $0x3  }
0xe: {  	s12 =	simm.s32 $0x80;
	s11 =	sadd.s32 s22, s5;
	s7 =	sadd.s32 s7, s5  }
0xf: {  	s5 =	sor.u32 $0x1C02, s31;
	s6 =	sadd.s32 $0x5B6000, s7;
	s7 =	smax.u32 s8, $0x1  }
0x10: {  	s8 =	sadd.s32 $0xD4000, s9;
	s9 =	sadd.s32 $0x3E00, s11;
	s11 =	simm.s32 $0x2  }
.LBB2_1:
0x11: {  	[spmem:s10], [sflag:s5] =	dma.local [hbm:s4], $0x2800  }
0x12: {  	_ =	swait.ge [sflag:s11], $0x2800  }
0x13: {  	[sflag:s11] =	ssyncset.done $0x0  }
0x14: {  	[sflag:s11] =	ssyncadd.s32 $0xFFFFD800  }
0x15: {  	s16 =	sadd.s32 $0x0, s9;
	[bflag:$0x0] =	sbarrier.arrive $0xFFFF  }
0x16: {  	[tilespmem:s3], [sflag:$0x2] =	stream.linear.gather [hbm4b:s16+s3], $0x50, $0x38;
	[tilespmem:$0x16880] =	vst v63  }
0x17: {  	_ =	swait.ge [sflag:s11], $0x50  }
0x18: {  	[sflag:s11] =	ssyncset.done $0x0  }
0x19: {  	[sflag:s11] =	ssyncadd.s32 $0xFFFFFFB0  }
0x1a: {  	[tilespmem:s12], [sflag:$0x1] =	stream.linear.gather [hbm4b:s8+s3], $0x2800, $0x38;
	[tilespmem:$0x16880] =	vst v63  }
0x1b: {  	_ =	swait.ge [sflag:s13], $0x2800  }
0x1c: {  	[sflag:s13] =	ssyncset.done $0x0  }
0x1d: {  	[sflag:s13] =	ssyncadd.s32 $0xFFFFD800  }
0x1e: {  	[spmem:s2] =	stream.indirect.scatter.add.f32 [tilespmem:s12], [sflag:$0x2], $0x80, s3, s14, $0xb8;
	[tilespmem:$0x16880] =	vst v63  }
0x1f: {  	s17 =	simm.s32 $0xA;
	_ =	swait.ge [sflag:s11], $0x2800  }
0x20: {  	s18 =	simm.s32 $0x14;
	s16 =	sadd.s32 $0x500, s8;
	[sflag:s11] =	ssyncset.done $0x0  }
.LBB2_2:
0x21: {  	s19 =	sadd.s32 s17, s9  }
0x22: {  	[sflag:s11] =	ssyncadd.s32 $0xFFFFD800;
	s17 =	smov.u32 s18;
	s20 =	sadd.s32 $0xA, s18  }
0x23: {  	[tilespmem:s3], [sflag:$0x2] =	stream.linear.gather [hbm4b:s19+s3], $0x50, $0x38;
	[tilespmem:$0x16880] =	vst v63  }
0x24: {  	p0 =	sne.s32 s18, $0x4D8;
	_ =	swait.ge [sflag:s11], $0x50  }
0x25: {  	[sflag:s11] =	ssyncset.done $0x0  }
0x26: {  	[sflag:s11] =	ssyncadd.s32 $0xFFFFFFB0  }
0x27: {  	[tilespmem:s12], [sflag:$0x1] =	stream.linear.gather [hbm4b:s16+s3], $0x2800, $0x38;
	[tilespmem:$0x16880] =	vst v63  }
0x28: {  	_ =	swait.ge [sflag:s13], $0x2800  }
.Ltmp0:
0x29: {  	[sflag:s13] =	ssyncset.done $0x0;
	(pc) =	sbr.rel @p0 .LBB2_2-.Ltmp0, $4  }
0x2a: {  	[sflag:s13] =	ssyncadd.s32 $0xFFFFD800  }
0x2b: {  	[spmem:s2] =	stream.indirect.scatter.add.f32 [tilespmem:s12], [sflag:$0x2], $0x80, s3, s14, $0xb8;
	[tilespmem:$0x16880] =	vst v63  }
0x2c: {  	_ =	swait.ge [sflag:s11], $0x2800  }
0x2d: {  	s18 =	smov.u32 s20;
	s16 =	sadd.s32 $0x500, s16;
	[sflag:s11] =	ssyncset.done $0x0  }
0x2e: {  	s17 =	sadd.s32 s17, s9;
	[sflag:s11] =	ssyncadd.s32 $0xFFFFD800  }
0x2f: {  	[tilespmem:s3], [sflag:$0x2] =	stream.linear.gather [hbm4b:s17+s3], $0x50, $0x38;
	[tilespmem:$0x16880] =	vst v63  }
0x30: {  	_ =	swait.ge [sflag:s11], $0x50  }
0x31: {  	[sflag:s11] =	ssyncset.done $0x0  }
0x32: {  	[sflag:s11] =	ssyncadd.s32 $0xFFFFFFB0  }
0x33: {  	[tilespmem:s12], [sflag:$0x1] =	stream.linear.gather [hbm4b:s16+s3], $0x2800, $0x38;
	[tilespmem:$0x16880] =	vst v63  }
0x34: {  	_ =	swait.ge [sflag:s13], $0x2800  }
0x35: {  	[sflag:s13] =	ssyncset.done $0x0  }
0x36: {  	[sflag:s13] =	ssyncadd.s32 $0xFFFFD800  }
0x37: {  	[spmem:s2] =	stream.indirect.scatter.add.f32 [tilespmem:s12], [sflag:$0x2], $0x80, s3, s14, $0xb8;
	[tilespmem:$0x16880] =	vst v63  }
0x38: {  	_ =	swait.ge [sflag:s11], $0x2800  }
0x39: {  	s15 =	sadd.s32 $0x1, s15;
	[sflag:s11] =	ssyncset.done $0x0  }
0x3a: {  	p0 =	sne.s32 s15, s7;
	[sflag:s11] =	ssyncadd.s32 $0xFFFFD800  }
.Ltmp1:
0x3b: {  	[bflag:$0x0] =	sbarrier.arrive $0xFFFF;
	(pc) =	sbr.rel @p0 .LBB2_1-.Ltmp1, $4  }
0x3c: {  	[hbm:s6], [sflag:s5] =	dma.local [spmem:s10], $0x2800  }
0x3d: {  	_ =	swait.ge [sflag:s11], $0x2800  }
0x3e: {  	[sflag:s11] =	ssyncset.done $0x0  }
0x3f: {  	[sflag:s11] =	ssyncadd.s32 $0xFFFFD800  }
0x40: {  	_ =	sfence.sel $0x180000  }
0x41: {  	[bflag:$0x0] =	sbarrier.arrive $0xFFFF  }
0x42: {  	p0 =	sne.s32 s0, $0x0;
	_ =	strace $0x9000004D  }
0x43: {  	s0 =	sadd.s32 @!p0 $0x100000, s1;
	[bflag:$0x2] =	sbarrier.arrive $0xFFFF  }
0x44: {  	[sflag:s0] =	ssyncadd.tile.s32 @!p0 $0x1;
	_ =	shalt  }
.Lfunc_end2:
_tile_overlayer_lowered:
.L_overlay_start_2:
0x45: {  	(tag) =	ssettag $0x2  }
0x46: {  	s0 =	rddreg [dreg:$0x0];
	s2 =	stileid.u32  }
0x47: {  	s1 =	rddreg [dreg:$0x1];
	p0 =	sne.s32 s2, $0x0  }
0x48: {  	s3 =	rddreg [dreg:$0x2];
	[bflag:$0x3] =	sbarrier.arrive $0xFFFF;
	s2 =	simm.s32 @!p0 $0x1C02  }
0x49: {  	[timem:s3], [sflag:s2] =	dma.local @!p0 [hbm:s0], s1  }
0x4a: {  	s0 =	simm.s32 @!p0 $0x2  }
0x4b: {  	_ =	swait.ge @!p0 [sflag:s0], s1  }
0x4c: {  	s1 =	ssub.s32 @!p0 $0x0, s1;
	[sflag:s0] =	ssyncset.done @!p0 $0x0  }
0x4d: {  	[sflag:s0] =	ssyncadd.s32 @!p0 s1  }
0x4e: {  	[bflag:$0x3] =	sbarrier.arrive $0xFFFF  }
0x4f: {  	_ =	shalt  }

// kernel: kernel.8.cloned.1.call-start
scs
__scs_entry_jumppad:
0x0: {  	(pc) =	sbr.rel $0x88, $3  }
0x1: {  	(tag) =	ssettag $0x0;
	lr =	simm.s32 $0x1  }
0x2: {  	[smem:$0x3F83] =	sst lr;
	_ =	strace $0xD0000000  }
0x3: {  	_ = 	snop  }
0x4: {  	_ = 	snop  }
0x5: {  	_ = 	snop  }
0x6: {  	_ = 	snop  }
0x7: {  	_ = 	snop  }
__scs_overlays_trampoline_lowered:
0x8: {  	[smem:$0x3F92] =	sst s0  }
0x9: {  	[smem:$0x3F93] =	sst s1  }
0xa: {  	[smem:$0x3F94] =	sst s2  }
0xb: {  	[smem:$0x3F95] =	sst s3  }
0xc: {  	[smem:$0x3F96] =	sst s4  }
0xd: {  	[smem:$0x3F97] =	sst s5  }
0xe: {  	[smem:$0x3F98] =	sst s6  }
0xf: {  	[smem:$0x3F99] =	sst s7  }
0x10: {  	[smem:$0x3F9A] =	sst s8  }
0x11: {  	[smem:$0x3F9B] =	sst s9;
	s0 =	simm.s32 @!p0 $0x0  }
0x12: {  	s1 =	sld [smem:$0x3F81];
	s0 =	simm.s32 @p0 $0x1  }
0x13: {  	[smem:$0x3F9C] =	sst s0;
	s0 =	simm.s32 @!p1 $0x0  }
0x14: {  	s2 =	sld [smem:$0x3F80];
	s0 =	simm.s32 @p1 $0x1  }
0x15: {  	[smem:$0x3F9D] =	sst s0;
	s0 =	simm.s32 @!p2 $0x0  }
0x16: {  	s3 =	sld [smem:$0x3FDB];
	s0 =	simm.s32 @p2 $0x1  }
0x17: {  	s4 =	simm.s32 $0x1BF5;
	[smem:$0x3F9F] =	sst s0  }
0x18: {  	s0 =	sld [smem:$0x3F82];
	_ =	swait.ge [sflag:s4], $0x0  }
0x19: {  	s7 =	sld [smem:$0x3F83]  }
0x1a: {  	s8 =	sadd.s32 $0xFFFFE003, lr  }
0x1b: {  	s9 =	sadd.s32 $0xFFFFFEF7, lr;
	s5 =	simm.s32 $0xFFFFFFFF;
	p2 =	slt.u32 s8, $0xFFFFF086  }
0x1c: {  	p1 =	slt.u32 s9, $0xF7A;
	s5 =	simm.s32 @!p2 $0x0  }
0x1d: {  	s5 =	simm.s32 @p1 $0x1;
	p0 =	seq.s32 s7, s2  }
0x1e: {  	s7 =	smul.u32 @!p0 $0xF7A, s2;
	p2 =	seq.s32 @!p0 s5, $0x0  }
0x1f: {  	s9 =	smul.u32 $0xF7A, s1;
	s8 =	simm.s32 @!p0 $0x1BF5;
	p2 =	por !p2, p0  }
0x20: {  	[sflag:s8] =	ssyncset.s32 @!p0 $0xFFFFF086;
	s6 =	sadd.s32 @!p0 s3, s7;
	s7 =	simm.s32 @!p0 $0x108  }
0x21: {  	s3 =	sadd.s32 s3, s9;
	s6 =	sadd.s32 @!p0 $0x88, s6;
	s7 =	simm.s32 @p2 $0x1082  }
0x22: {  	[simem:s7], [sflag:s8] =	dma.local @!p0 [hbm:s6], $0xF7A  }
0x23: {  	s9 =	sor.u32 $0xD0000000, s2;
	s6 =	simm.s32 $0x108;
	_ =	swait.ge @!p0 [sflag:s8], $0x0  }
0x24: {  	s3 =	sadd.s32 $0x88, s3;
	s6 =	simm.s32 @!p1 $0x1082;
	[sflag:s4] =	ssyncset.s32 $0xFFFFF086  }
0x25: {  	[simem:s6], [sflag:s4] =	dma.local [hbm:s3], $0xF7A  }
0x26: {  	[smem:$0x3F83] =	sst s1;
	(tag) =	ssettag s2;
	_ =	strace s9  }
0x27: {  	s1 =	sld [smem:$0x3F93]  }
0x28: {  	s2 =	sld [smem:$0x3F94]  }
0x29: {  	s4 =	sld [smem:$0x3F96]  }
0x2a: {  	p0 =	seq.s32 s5, $0x0;
	s5 =	sld [smem:$0x3F97]  }
0x2b: {  	s6 =	sld [smem:$0x3F98]  }
0x2c: {  	s7 =	sld [smem:$0x3F99]  }
0x2d: {  	s3 =	simm.s32 $0x108;
	s8 =	sld [smem:$0x3F9A]  }
0x2e: {  	s3 =	simm.s32 @!p0 $0x1082;
	s9 =	sld [smem:$0x3F9B]  }
0x2f: {  	lr =	sadd.s32 s0, s3;
	s0 =	sld [smem:$0x3F92]  }
0x30: {  	s3 =	sld [smem:$0x3F95]  }
0x31: {  	[smem:$0x3F9E] =	sst s10  }
0x32: {  	s10 =	sld [smem:$0x3F9C];
	_ =	sdelay $0x3  }
0x33: {  	p0 =	seq.s32 s10, $0x1;
	s10 =	sld [smem:$0x3F9E];
	_ =	sdelay $0x3  }
0x34: {  	[smem:$0x3F9E] =	sst s10  }
0x35: {  	s10 =	sld [smem:$0x3F9D];
	_ =	sdelay $0x3  }
0x36: {  	p1 =	seq.s32 s10, $0x1;
	s10 =	sld [smem:$0x3F9E];
	_ =	sdelay $0x3  }
0x37: {  	[smem:$0x3F9E] =	sst s10  }
0x38: {  	s10 =	sld [smem:$0x3F9F]  }
0x39: {  	_ = 	snop;
	(pc) =	sbr.ind lr, $3  }
0x3a: {  	_ = 	snop  }
0x3b: {  	_ = 	snop  }
0x3c: {  	p2 =	seq.s32 s10, $0x1;
	s10 =	sld [smem:$0x3F9E]  }
0x3d: {  	_ =	shalt  }
0x3e: {  	_ =	shalt  }
0x3f: {  	_ =	shalt  }
0x40: {  	_ =	shalt  }
0x41: {  	_ =	shalt  }
0x42: {  	_ =	shalt  }
0x43: {  	_ =	shalt  }
0x44: {  	_ =	shalt  }
0x45: {  	_ =	shalt  }
0x46: {  	_ =	shalt  }
0x47: {  	_ =	shalt  }
0x48: {  	_ =	shalt  }
0x49: {  	_ =	shalt  }
0x4a: {  	_ =	shalt  }
0x4b: {  	_ =	shalt  }
0x4c: {  	_ =	shalt  }
0x4d: {  	_ =	shalt  }
0x4e: {  	_ =	shalt  }
0x4f: {  	_ =	shalt  }
0x50: {  	_ =	shalt  }
0x51: {  	_ =	shalt  }
0x52: {  	_ =	shalt  }
0x53: {  	_ =	shalt  }
0x54: {  	_ =	shalt  }
0x55: {  	_ =	shalt  }
0x56: {  	_ =	shalt  }
0x57: {  	_ =	shalt  }
0x58: {  	_ =	shalt  }
0x59: {  	_ =	shalt  }
0x5a: {  	_ =	shalt  }
0x5b: {  	_ =	shalt  }
0x5c: {  	_ =	shalt  }
0x5d: {  	_ =	shalt  }
0x5e: {  	_ =	shalt  }
0x5f: {  	_ =	shalt  }
0x60: {  	_ =	shalt  }
0x61: {  	_ =	shalt  }
0x62: {  	_ =	shalt  }
0x63: {  	_ =	shalt  }
0x64: {  	_ =	shalt  }
0x65: {  	_ =	shalt  }
0x66: {  	_ =	shalt  }
0x67: {  	_ =	shalt  }
0x68: {  	_ =	shalt  }
0x69: {  	_ =	shalt  }
0x6a: {  	_ =	shalt  }
0x6b: {  	_ =	shalt  }
0x6c: {  	_ =	shalt  }
0x6d: {  	_ =	shalt  }
0x6e: {  	_ =	shalt  }
0x6f: {  	_ =	shalt  }
0x70: {  	_ =	shalt  }
0x71: {  	_ =	shalt  }
0x72: {  	_ =	shalt  }
0x73: {  	_ =	shalt  }
0x74: {  	_ =	shalt  }
0x75: {  	_ =	shalt  }
0x76: {  	_ =	shalt  }
0x77: {  	_ =	shalt  }
0x78: {  	_ =	shalt  }
0x79: {  	_ =	shalt  }
0x7a: {  	_ =	shalt  }
0x7b: {  	_ =	shalt  }
0x7c: {  	_ =	shalt  }
0x7d: {  	_ =	shalt  }
0x7e: {  	_ =	shalt  }
0x7f: {  	_ =	shalt  }
0x80: {  	_ =	shalt  }
0x81: {  	_ =	shalt  }
0x82: {  	_ =	shalt  }
0x83: {  	_ =	shalt  }
0x84: {  	_ =	shalt  }
0x85: {  	_ =	shalt  }
0x86: {  	_ =	shalt  }
0x87: {  	_ =	shalt  }
.Lfunc_end0:
.L_simem_size_0:
called_computation_lowered:
.L_overlay_start_0:
0x88: {  	s2 =	sld [smem:$0x3FD9]  }
0x89: {  	s3 =	sld [smem:$0x3FFE];
	_ =	sdelay $0x1  }
0x8a: {  	s1 =	srdreg.scid  }
0x8b: {  	s0 =	sand.u32 $0x1, s1  }
0x8c: {  	s16 =	sshll.u32 s0, $0xA;
	s2 =	sadd.s32 s3, s2  }
0x8d: {  	s2 =	sadd.s32 s2, s16  }
0x8e: {  	[smem:$0x3FAA] =	sst s2  }
0x8f: {  	_ = 	snop  }
0x90: {  	(tm) =	ssettm $0x1  }
0x91: {  	s17 =	sld [smem:$0x3FFB];
	_ =	sdelay $0x3  }
0x92: {  	_ =	strace s17  }
0x93: {  	s2 =	sld [smem:$0x3FFC];
	_ =	sdelay $0x3  }
0x94: {  	_ =	strace s2  }
0x95: {  	s2 =	sld [smem:$0x3FFD];
	_ =	sdelay $0x3  }
0x96: {  	_ =	strace s2  }
0x97: {  	_ =	strace $0x8FFFFFFF  }
0x98: {  	s18 =	sld [smem:$0x3FDB];
	_ =	sdelay $0x1  }
0x99: {  	s19 =	simm.s32 $_scs_section_size  }
0x9a: {  	s4 =	simm.s32 $_size__tile_overlayer_lowered;
	s5 =	simm.s32 $_tile_overlayer_lowered  }
0x9b: {  	s22 =	simm.s32 $0x1BFF;
	s21 =	sshll.u32 s5, $0x1;
	s2 =	sadd.s32 s19, s18  }
0x9c: {  	s6 =	simm.s32 $0x0;
	s20 =	sshll.u32 s4, $0x1;
	s4 =	sadd.s32 s21, s2  }
0x9d: {  	[timem:s6], [sflag:s22] =	dma.local [hbm:s4], s20  }
0x9e: {  	_ =	swait.ge [sflag:s22], s20  }
0x9f: {  	s3 =	ssub.s32 $0x0, s20;
	[sflag:s22] =	ssyncset.done $0x0  }
0xa0: {  	[sflag:s22] =	ssyncadd.s32 s3;
	_ =	sdelay $0x1  }
0xa1: {  	s23 =	simm.s32 $0x1B8B  }
0xa2: {  	_ =	swait.ge [sflag:s23], $0x1  }
0xa3: {  	[sflag:s23] =	ssyncset.done $0x0  }
0xa4: {  	s25 =	simm.s32 $0x1B8E;
	s24 =	sld [smem:$0x3FFE];
	[sflag:s23] =	ssyncadd.s32 $0xFFFFFFFF  }
0xa5: {  	s26 =	simm.s32 $execute0_lowered;
	[smem:$0x3FD2] =	sst s25  }
0xa6: {  	s4 =	sshll.u32 s26, $0x1;
	_ =	strace $0x80000046;
	[dreg:$0x1] =	wrdreg $0xFFFFFFFF  }
0xa7: {  	s28 =	simm.s32 $_size_execute0_lowered;
	s2 =	sadd.s32 s2, s4;
	[dreg:$0x0] =	wrdreg $0x0  }
0xa8: {  	s4 =	sshll.u32 s28, $0x1;
	[dreg:$0x2] =	wrdreg s2  }
0xa9: {  	[dreg:$0x3] =	wrdreg s4  }
0xaa: {  	[dreg:$0x4] =	wrdreg $0xC0  }
0xab: {  	_ =	task [dreg:s6], $0x5FFFF  }
0xac: {  	[dreg:$0x1] =	wrdreg $0xFFFFFFFF  }
0xad: {  	[dreg:$0x0] =	wrdreg $0x60  }
0xae: {  	[dreg:$0x2] =	wrdreg s24  }
0xaf: {  	[dreg:$0x3] =	wrdreg $0x28800  }
0xb0: {  	[dreg:$0x4] =	wrdreg $0x9  }
0xb1: {  	_ =	task.clear_ibuf [dreg:s6], $0x5FFFF;
	_ =	strace $0x90000046  }
0xb2: {  	s29 =	simm.s32 $0x9;
	_ =	strace $0x80000048  }
0xb3: {  	_ =	swait.ge [sflag:s29], $0x1  }
0xb4: {  	[sflag:s29] =	ssyncadd.s32 $0xFFFFFFFF  }
0xb5: {  	_ =	strace $0x90000048  }
0xb6: {  	_ =	sfence  }
0xb7: {  	s30 =	sld [smem:$0x0];
	_ =	sdelay $0x2  }
0xb8: {  	s31 =	sshll.u32 s1, $0xD;
	s1 =	sshrl.u32 s1, $0x2  }
0xb9: {  	s3 =	sand.u32 $0x4000, s31;
	s1 =	sadd.s32 s1, s30  }
0xba: {  	s0 =	sor.u32 s3, s0;
	s1 =	sshll.u32 s1, $0x11  }
0xbb: {  	s0 =	sor.u32 s1, s0  }
0xbc: {  	s0 =	sadd.s32 $0x8F2B, s0  }
0xbd: {  	[sflag:s0] =	ssyncadd.remote.s32 $0x1  }
0xbe: {  	_ =	sfence.sel $0xFFFF  }
0xbf: {  	[dreg:$0x0] =	wrdreg $0xFFFFFFFF;
	(pc) =	sbr.abs _section_cstart, $3  }
0xc0: {  	[dreg:$0x1] =	wrdreg $0xFFFFFFFF  }
0xc1: {  	_ =	task.clear_ibuf [dreg:s6], $0x2FFFF;
	_ =	strace $0x9FFFFFFF  }
0xc2: {  	(tm) =	ssettm $0x7FFFFFFF  }
0xc3: {  	_ =	shalt  }
tec
execute0_lowered:
.L_overlay_start_1:
0x0: {  	(tag) =	ssettag $0x1  }
0x1: {  	s0 =	stileid.u32  }
0x2: {  	s1 =	srdreg.scid;
	s5 =	rddreg [dreg:$0x0]  }
0x3: {  	s2 =	rddreg [dreg:$0x1];
	s4 =	smul.u32 $0x4E200, s0  }
0x4: {  	s3 =	simm.s32 $0x0;
	s13 =	simm.s32 $0x1;
	s7 =	smul.u32 $0x4E20, s0  }
0x5: {  	s14 =	simm.s32 $0x50;
	s15 =	simm.s32 $0x0;
	s9 =	smul.u32 $0x14000, s0  }
0x6: {  	s6 =	sand.u32 $0x1, s1;
	s1 =	rddreg [dreg:$0x2];
	s26 =	smul.u32 $0x50000, s0  }
0x7: {  	[smem:$0x7FF] =	sst s3;
	s31 =	sshll.u32 s0, $0x6;
	s8 =	smul.u32 $0x2710, s6  }
0x8: {  	s21 =	smul.u32 $0x140000, s6;
	_ =	strace $0x80000047;
	s25 =	ssub.s32 $0x2, s6  }
0x9: {  	s30 =	smul.u32 $0x27100, s6;
	s10 =	sadd.s32 s4, s5;
	s23 =	sshrl.u32 s9, $0x3  }
0xa: {  	s28 =	sshrl.u32 s25, $0x1;
	s29 =	sshrl.u32 s26, $0x2;
	s7 =	sadd.s32 s8, s7  }
0xb: {  	s24 =	sadd.s32 s9, s21;
	s4 =	sadd.s32 s23, s5;
	s8 =	ssub.s32 s25, s28  }
0xc: {  	s12 =	sadd.s32 s29, s2;
	s9 =	sadd.s32 s30, s10;
	s22 =	sshrl.u32 s7, $0x3  }
0xd: {  	s7 =	sshrl.u32 s24, $0x3;
	s4 =	sadd.s32 $0xDC00, s4;
	s10 =	sshrl.u32 s12, $0x3  }
0xe: {  	s12 =	simm.s32 $0x80;
	s11 =	sadd.s32 s22, s5;
	s7 =	sadd.s32 s7, s5  }
0xf: {  	s5 =	sor.u32 $0x1C02, s31;
	s6 =	sadd.s32 $0x35C00, s7;
	s7 =	smax.u32 s8, $0x1  }
0x10: {  	s8 =	sadd.s32 $0x4F9A00, s9;
	s9 =	sadd.s32 $0x3E00, s11;
	s11 =	simm.s32 $0x2  }
.LBB2_1:
0x11: {  	[spmem:s10], [sflag:s5] =	dma.local [hbm:s4], $0x2800  }
0x12: {  	_ =	swait.ge [sflag:s11], $0x2800  }
0x13: {  	[sflag:s11] =	ssyncset.done $0x0  }
0x14: {  	[sflag:s11] =	ssyncadd.s32 $0xFFFFD800  }
0x15: {  	s16 =	sadd.s32 $0x0, s9;
	[bflag:$0x0] =	sbarrier.arrive $0xFFFF  }
0x16: {  	[tilespmem:s3], [sflag:$0x2] =	stream.linear.gather [hbm4b:s16+s3], $0x50, $0x38;
	[tilespmem:$0x16880] =	vst v63  }
0x17: {  	_ =	swait.ge [sflag:s11], $0x50  }
0x18: {  	[sflag:s11] =	ssyncset.done $0x0  }
0x19: {  	[sflag:s11] =	ssyncadd.s32 $0xFFFFFFB0  }
0x1a: {  	[tilespmem:s12], [sflag:$0x1] =	stream.linear.gather [hbm4b:s8+s3], $0x2800, $0x38;
	[tilespmem:$0x16880] =	vst v63  }
0x1b: {  	_ =	swait.ge [sflag:s13], $0x2800  }
0x1c: {  	[sflag:s13] =	ssyncset.done $0x0  }
0x1d: {  	[sflag:s13] =	ssyncadd.s32 $0xFFFFD800  }
0x1e: {  	[spmem:s2] =	stream.indirect.scatter.add.f32 [tilespmem:s12], [sflag:$0x2], $0x80, s3, s14, $0xb8;
	[tilespmem:$0x16880] =	vst v63  }
0x1f: {  	s17 =	simm.s32 $0xA;
	_ =	swait.ge [sflag:s11], $0x2800  }
0x20: {  	s18 =	simm.s32 $0x14;
	s16 =	sadd.s32 $0x500, s8;
	[sflag:s11] =	ssyncset.done $0x0  }
.LBB2_2:
0x21: {  	s19 =	sadd.s32 s17, s9  }
0x22: {  	[sflag:s11] =	ssyncadd.s32 $0xFFFFD800;
	s17 =	smov.u32 s18;
	s20 =	sadd.s32 $0xA, s18  }
0x23: {  	[tilespmem:s3], [sflag:$0x2] =	stream.linear.gather [hbm4b:s19+s3], $0x50, $0x38;
	[tilespmem:$0x16880] =	vst v63  }
0x24: {  	p0 =	sne.s32 s18, $0x4D8;
	_ =	swait.ge [sflag:s11], $0x50  }
0x25: {  	[sflag:s11] =	ssyncset.done $0x0  }
0x26: {  	[sflag:s11] =	ssyncadd.s32 $0xFFFFFFB0  }
0x27: {  	[tilespmem:s12], [sflag:$0x1] =	stream.linear.gather [hbm4b:s16+s3], $0x2800, $0x38;
	[tilespmem:$0x16880] =	vst v63  }
0x28: {  	_ =	swait.ge [sflag:s13], $0x2800  }
.Ltmp0:
0x29: {  	[sflag:s13] =	ssyncset.done $0x0;
	(pc) =	sbr.rel @p0 .LBB2_2-.Ltmp0, $4  }
0x2a: {  	[sflag:s13] =	ssyncadd.s32 $0xFFFFD800  }
0x2b: {  	[spmem:s2] =	stream.indirect.scatter.add.f32 [tilespmem:s12], [sflag:$0x2], $0x80, s3, s14, $0xb8;
	[tilespmem:$0x16880] =	vst v63  }
0x2c: {  	_ =	swait.ge [sflag:s11], $0x2800  }
0x2d: {  	s18 =	smov.u32 s20;
	s16 =	sadd.s32 $0x500, s16;
	[sflag:s11] =	ssyncset.done $0x0  }
0x2e: {  	s17 =	sadd.s32 s17, s9;
	[sflag:s11] =	ssyncadd.s32 $0xFFFFD800  }
0x2f: {  	[tilespmem:s3], [sflag:$0x2] =	stream.linear.gather [hbm4b:s17+s3], $0x50, $0x38;
	[tilespmem:$0x16880] =	vst v63  }
0x30: {  	_ =	swait.ge [sflag:s11], $0x50  }
0x31: {  	[sflag:s11] =	ssyncset.done $0x0  }
0x32: {  	[sflag:s11] =	ssyncadd.s32 $0xFFFFFFB0  }
0x33: {  	[tilespmem:s12], [sflag:$0x1] =	stream.linear.gather [hbm4b:s16+s3], $0x2800, $0x38;
	[tilespmem:$0x16880] =	vst v63  }
0x34: {  	_ =	swait.ge [sflag:s13], $0x2800  }
0x35: {  	[sflag:s13] =	ssyncset.done $0x0  }
0x36: {  	[sflag:s13] =	ssyncadd.s32 $0xFFFFD800  }
0x37: {  	[spmem:s2] =	stream.indirect.scatter.add.f32 [tilespmem:s12], [sflag:$0x2], $0x80, s3, s14, $0xb8;
	[tilespmem:$0x16880] =	vst v63  }
0x38: {  	_ =	swait.ge [sflag:s11], $0x2800  }
0x39: {  	s15 =	sadd.s32 $0x1, s15;
	[sflag:s11] =	ssyncset.done $0x0  }
0x3a: {  	p0 =	sne.s32 s15, s7;
	[sflag:s11] =	ssyncadd.s32 $0xFFFFD800  }
.Ltmp1:
0x3b: {  	[bflag:$0x0] =	sbarrier.arrive $0xFFFF;
	(pc) =	sbr.rel @p0 .LBB2_1-.Ltmp1, $4  }
0x3c: {  	[hbm:s6], [sflag:s5] =	dma.local [spmem:s10], $0x2800  }
0x3d: {  	_ =	swait.ge [sflag:s11], $0x2800  }
0x3e: {  	[sflag:s11] =	ssyncset.done $0x0  }
0x3f: {  	[sflag:s11] =	ssyncadd.s32 $0xFFFFD800  }
0x40: {  	_ =	sfence.sel $0x180000  }
0x41: {  	[bflag:$0x0] =	sbarrier.arrive $0xFFFF  }
0x42: {  	p0 =	sne.s32 s0, $0x0;
	_ =	strace $0x90000047  }
0x43: {  	s0 =	sadd.s32 @!p0 $0x100000, s1;
	[bflag:$0x2] =	sbarrier.arrive $0xFFFF  }
0x44: {  	[sflag:s0] =	ssyncadd.tile.s32 @!p0 $0x1;
	_ =	shalt  }
.Lfunc_end2:
_tile_overlayer_lowered:
.L_overlay_start_2:
0x45: {  	(tag) =	ssettag $0x2  }
0x46: {  	s0 =	rddreg [dreg:$0x0];
	s2 =	stileid.u32  }
0x47: {  	s1 =	rddreg [dreg:$0x1];
	p0 =	sne.s32 s2, $0x0  }
0x48: {  	s3 =	rddreg [dreg:$0x2];
	[bflag:$0x3] =	sbarrier.arrive $0xFFFF;
	s2 =	simm.s32 @!p0 $0x1C02  }
0x49: {  	[timem:s3], [sflag:s2] =	dma.local @!p0 [hbm:s0], s1  }
0x4a: {  	s0 =	simm.s32 @!p0 $0x2  }
0x4b: {  	_ =	swait.ge @!p0 [sflag:s0], s1  }
0x4c: {  	s1 =	ssub.s32 @!p0 $0x0, s1;
	[sflag:s0] =	ssyncset.done @!p0 $0x0  }
0x4d: {  	[sflag:s0] =	ssyncadd.s32 @!p0 s1  }
0x4e: {  	[bflag:$0x3] =	sbarrier.arrive $0xFFFF  }
0x4f: {  	_ =	shalt  }

</sc_bundles>
